<compile_context>
chip_gen: v7x
topology: tpu7x:2x2x1
jax: 0.10.2.dev20260603
libtpu: 0.0.44.dev20260713+nightly
codegen_flags: <defaults>
</compile_context>

<pallas_src>
import functools

import jax
import jax.numpy as jnp
from jax import lax
from jax.experimental import pallas as pl
from jax.experimental.pallas import tpu as pltpu
from jax.experimental.pallas import tpu_sc as plsc

N = 20000
K = 5000
NCLS = 80
R1B = 12
R2B = 11
R1 = 1 << R1B
R2 = 1 << R2B
NCH = N // 16
SENT = 1 << 30
KPAD = 5120
NGCH = KPAD // 16
U = 5


def _iota16():
    return lax.iota(jnp.int32, 16)


def _sc_body(key_hbm, c0_hbm, c1_hbm, c2_hbm, c3_hbm, c4_hbm, lab_hbm,
             s0_hbm, s1_hbm, s2_hbm, s3_hbm, s4_hbm, sell_hbm, cnt_hbm,
             key_a, key_b, occ1, occ2, idx_o, colbuf, selbuf, cntbuf):
    is_lead = (lax.axis_index("c") == 0) & (lax.axis_index("s") == 0)

    @pl.when(is_lead)
    def _():
        pltpu.sync_copy(key_hbm, key_a)

        zeros = jnp.zeros((16,), jnp.int32)
        iota = _iota16()

        @plsc.parallel_loop(0, R1 // 16, 1, unroll=8)
        def _zero1(i):
            occ1[pl.ds(i * 16, 16)] = zeros

        @plsc.parallel_loop(0, R2 // 16, 1, unroll=8)
        def _zero2(i):
            occ2[pl.ds(i * 16, 16)] = zeros

        @plsc.parallel_loop(0, NCH, 1, unroll=U)
        def _hist(c):
            k = key_a[pl.ds(c * 16, 16)]
            d1 = k & (R1 - 1)
            cnt1, last1 = plsc.scan_count(d1)
            plsc.addupdate_scatter(occ1, [d1], cnt1, mask=last1)
            d2 = lax.shift_right_logical(k, R1B)
            cnt2, last2 = plsc.scan_count(d2)
            plsc.addupdate_scatter(occ2, [d2], cnt2, mask=last2)

        def _scan1(j, carry):
            i = R1 // 16 - 1 - j
            h = occ1[pl.ds(i * 16, 16)]
            inc = lax.rev(plsc.cumsum(lax.rev(h, (0,))), (0,))
            occ1[pl.ds(i * 16, 16)] = carry + inc - h
            return carry + jnp.sum(h)
        lax.fori_loop(0, R1 // 16, _scan1, jnp.int32(0))

        def _scan2(j, carry):
            i = R2 // 16 - 1 - j
            h = occ2[pl.ds(i * 16, 16)]
            inc = lax.rev(plsc.cumsum(lax.rev(h, (0,))), (0,))
            start = carry + inc - h
            occ2[pl.ds(i * 16, 16)] = jnp.where(carry < K, start,
                                                jnp.full((16,), SENT, jnp.int32))
            return carry + jnp.sum(h)
        lax.fori_loop(0, R2 // 16, _scan2, jnp.int32(0))

        def _perm1(cc, _):
            for u in range(U):
                c = cc * U + u
                k = key_a[pl.ds(c * 16, 16)]
                d = k & (R1 - 1)
                cnt, last = plsc.scan_count(d)
                base = plsc.load_gather(occ1, [d])
                pos = base + cnt - 1
                packed = lax.shift_left(lax.shift_right_logical(k, R1B), 15) \
                    | (iota + c * 16)
                plsc.store_scatter(key_b, [pos], packed)
                plsc.addupdate_scatter(occ1, [d], cnt, mask=last)
            return 0
        lax.fori_loop(0, NCH // U, _perm1, 0)

        for i in range(8):
            idx_o[pl.ds(4992 + i * 16, 16)] = zeros

        def _perm2(cc, _):
            for u in range(U):
                c = cc * U + u
                kp = key_b[pl.ds(c * 16, 16)]
                d = lax.shift_right_logical(kp, 15)
                cnt, last = plsc.scan_count(d)
                base = plsc.load_gather(occ2, [d])
                pos = base + cnt - 1
                v = kp & ((1 << 15) - 1)
                plsc.store_scatter(idx_o, [pos], v, mask=pos < K)
                plsc.addupdate_scatter(occ2, [d], cnt, mask=last)
            return 0
        lax.fori_loop(0, NCH // U, _perm2, 0)

        def _gather_into_selbuf():
            @plsc.parallel_loop(0, NGCH, 1, unroll=8)
            def _g(g):
                i16 = idx_o[pl.ds(g * 16, 16)]
                selbuf[pl.ds(g * 16, 16)] = plsc.load_gather(colbuf, [i16])

        for col_in, col_out in zip((c0_hbm, c1_hbm, c2_hbm, c3_hbm, c4_hbm),
                                   (s0_hbm, s1_hbm, s2_hbm, s3_hbm, s4_hbm)):
            pltpu.sync_copy(col_in, colbuf)
            _gather_into_selbuf()
            pltpu.sync_copy(selbuf.at[pl.ds(0, K)], col_out)

        pltpu.sync_copy(lab_hbm, colbuf)
        _gather_into_selbuf()
        pltpu.sync_copy(selbuf.at[pl.ds(0, K)], sell_hbm)

        @plsc.parallel_loop(0, NCLS // 16, 1, unroll=5)
        def _zeroc(i):
            cntbuf[pl.ds(i * 16, 16)] = zeros

        @plsc.parallel_loop(0, NGCH, 1, unroll=8)
        def _bc(g):
            lab16 = selbuf[pl.ds(g * 16, 16)]
            valid = (iota + g * 16) < K
            cnt, last = plsc.scan_count(lab16, mask=valid)
            plsc.addupdate_scatter(cntbuf, [lab16], cnt, mask=last)

        pltpu.sync_copy(cntbuf, cnt_hbm)


@jax.jit
def _sc_topk(key, cols_i, lab):
    mesh = plsc.VectorSubcoreMesh(core_axis_name="c", subcore_axis_name="s")
    fn = pl.kernel(
        _sc_body,
        out_type=(
            *(jax.ShapeDtypeStruct((K,), jnp.int32) for _ in range(5)),
            jax.ShapeDtypeStruct((K,), jnp.int32),
            jax.ShapeDtypeStruct((NCLS,), jnp.int32),
        ),
        mesh=mesh,
        compiler_params=pltpu.CompilerParams(needs_layout_passes=False),
        scratch_types=[
            pltpu.VMEM((N,), jnp.int32),
            pltpu.VMEM((N,), jnp.int32),
            pltpu.VMEM((R1,), jnp.int32),
            pltpu.VMEM((R2,), jnp.int32),
            pltpu.VMEM((KPAD,), jnp.int32),
            pltpu.VMEM((N,), jnp.int32),
            pltpu.VMEM((KPAD,), jnp.int32),
            pltpu.VMEM((NCLS,), jnp.int32),
        ],
    )
    return fn(key, *cols_i, lab)


def kernel(all_detections, all_labels, max_bbox, num_classes):
    conf = all_detections[:, 0]
    key = (conf * jnp.float32(1 << 23)).astype(jnp.int32)
    cols_i = lax.bitcast_convert_type(all_detections, jnp.int32)
    cols = tuple(cols_i[:, c] for c in range(5))
    lab = all_labels.astype(jnp.int32)
    *selcols, sell, counts = _sc_topk(key, cols, lab)
    sel_detections = lax.bitcast_convert_type(jnp.stack(selcols, axis=1),
                                              jnp.float32)
    sel_labels = sell.astype(all_labels.dtype)
    return sel_detections, sel_labels, counts + 0 * num_classes

# --- scband reference (transcript-rebuilt; emitter-appended) ---
"""Pipeline reference for scband-predict-model-65953517797566 (READ-ONLY COPY).

The authoritative reference and input builder live on the scoring server;
editing this copy changes nothing except your own understanding.
"""

import jax, jax.numpy as jnp
import numpy as np

N = 20000
NUM_CLASSES = 80
MAX_BBOX = 5000

def setup_inputs(seed: int = 0) -> dict:
    key = jax.random.key(seed)
    k1, k2 = jax.random.split(key)
    # packed detections: [conf, x1, y1, x2, y2] per row (conf in column 0,
    # mirroring all_detections[:, 0] used for topk in post_process)
    all_detections = jax.random.uniform(k1, (N, 5), dtype=jnp.float32)
    all_labels = jax.random.randint(k2, (N,), 0, NUM_CLASSES, dtype=jnp.int64) if jax.config.jax_enable_x64 else jax.random.randint(k2, (N,), 0, NUM_CLASSES, dtype=jnp.int32)
    return {
        'all_detections': all_detections,
        'all_labels': all_labels,
        'max_bbox': MAX_BBOX,
        'num_classes': NUM_CLASSES,
    }

def reference(all_detections, all_labels, max_bbox, num_classes):
    # Faithful jax translation of PredictModel.post_process on packed detections:
    #   pack_detections -> already packed as (all_detections, all_labels)
    #   if len > max_bbox: topk over confidence column, gather rows + labels
    #   unpack_detections -> per-class assignment; represented here as
    #     per-class counts (jnp.bincount) since jax needs static shapes.
    all_conf = all_detections[:, 0]
    top_conf, top_indices = jax.lax.top_k(all_conf, MAX_BBOX)
    top_indices = top_indices + 0 * max_bbox
    sel_detections = jnp.take(all_detections, top_indices, axis=0)
    sel_labels = jnp.take(all_labels, top_indices, axis=0)
    # unpack: per-class membership counts (ragged per-class splits are
    # recovered downstream; counts + labels fully determine the split)
    class_counts = jnp.bincount(sel_labels, length=NUM_CLASSES) + 0 * num_classes
    return sel_detections, sel_labels, class_counts

if __name__ == "__main__":
    import jax
    _d = setup_inputs()
    print(jax.jit(kernel)(*tuple(_d.values())))

</pallas_src>

<mosaic_0001>
#map = affine_map<(d0, d1) -> (0)>
module attributes {stable_mosaic.version = 14 : i64} {
  func.func @_sc_body(%arg0: i32, %arg1: i32, %arg2: memref<20000xi32, #tpu.memory_space<hbm>>, %arg3: memref<20000xi32, #tpu.memory_space<hbm>>, %arg4: memref<20000xi32, #tpu.memory_space<hbm>>, %arg5: memref<20000xi32, #tpu.memory_space<hbm>>, %arg6: memref<20000xi32, #tpu.memory_space<hbm>>, %arg7: memref<20000xi32, #tpu.memory_space<hbm>>, %arg8: memref<20000xi32, #tpu.memory_space<hbm>>, %arg9: memref<5000xi32, #tpu.memory_space<hbm>>, %arg10: memref<5000xi32, #tpu.memory_space<hbm>>, %arg11: memref<5000xi32, #tpu.memory_space<hbm>>, %arg12: memref<5000xi32, #tpu.memory_space<hbm>>, %arg13: memref<5000xi32, #tpu.memory_space<hbm>>, %arg14: memref<5000xi32, #tpu.memory_space<hbm>>, %arg15: memref<80xi32, #tpu.memory_space<hbm>>, %arg16: memref<20000xi32, #tpu.memory_space<vmem>>, %arg17: memref<20000xi32, #tpu.memory_space<vmem>>, %arg18: memref<4096xi32, #tpu.memory_space<vmem>>, %arg19: memref<2048xi32, #tpu.memory_space<vmem>>, %arg20: memref<5120xi32, #tpu.memory_space<vmem>>, %arg21: memref<20000xi32, #tpu.memory_space<vmem>>, %arg22: memref<5120xi32, #tpu.memory_space<vmem>>, %arg23: memref<80xi32, #tpu.memory_space<vmem>>) attributes {dimension_semantics = [#tpu.dimension_semantics<core_parallel>, #tpu.dimension_semantics<subcore_parallel>], iteration_bounds = array<i64: 2, 16>, scalar_prefetch = 0 : i64, scratch_operands = 8 : i64, tpu.core_type = #tpu.core_type<sc_vector_subcore>, window_params = [{transform_indices = #map}, {transform_indices = #map}, {transform_indices = #map}, {transform_indices = #map}, {transform_indices = #map}, {transform_indices = #map}, {transform_indices = #map}, {transform_indices = #map}, {transform_indices = #map}, {transform_indices = #map}, {transform_indices = #map}, {transform_indices = #map}, {transform_indices = #map}, {transform_indices = #map}]} {
    %eq3A = arith.constant 0 : i32
    %eq3A_0 = arith.cmpi eq, %arg0, %eq3A : i32
    %eq3A_1 = arith.constant 0 : i32
    %eq3A_2 = arith.cmpi eq, %arg1, %eq3A_1 : i32
    %and3A = arith.andi %eq3A_0, %eq3A_2 : i1
    %convert_element_type3A = arith.extui %and3A : i1 to i32
    %cond3A = arith.constant 0 : i32
    %cond3A_3 = arith.cmpi ne, %convert_element_type3A, %cond3A : i32
    scf.if %cond3A_3 {
      "tpu.region"() ({
        %run_scoped3A = tpu.sem_alloc : memref<!tpu.dma_semaphore, #tpu.memory_space<semaphore_mem>>
        tpu.enqueue_dma source(%arg2 : memref<20000xi32, #tpu.memory_space<hbm>>) target(%arg16 : memref<20000xi32, #tpu.memory_space<vmem>>) target_semaphore(%run_scoped3A : memref<!tpu.dma_semaphore, #tpu.memory_space<semaphore_mem>>)
        tpu.wait_dma2 semaphore(%run_scoped3A : memref<!tpu.dma_semaphore, #tpu.memory_space<semaphore_mem>>) src(%arg2 : memref<20000xi32, #tpu.memory_space<hbm>>) dst(%arg16 : memref<20000xi32, #tpu.memory_space<vmem>>)
        tpu.yield
      }) : () -> ()
      %broadcast_in_dim3A = arith.constant 0 : i32
      %broadcast_in_dim3A_4 = vector.broadcast %broadcast_in_dim3A : i32 to vector<16xi32>
      %iota3A = tpu.iota {dimensions = array<i32: 0>} : vector<16xi32>
      %parallel_loop3A = arith.constant 0 : i32
      %parallel_loop3A_5 = arith.constant 256 : i32
      %parallel_loop3A_6 = arith.constant 1 : i32
      scf.for %parallel_loop3A_79 = %parallel_loop3A to %parallel_loop3A_5 step %parallel_loop3A_6  : i32 {
        %parallel_loop3A_80 = arith.constant 16 : i32
        %parallel_loop3A_81 = arith.muli %parallel_loop3A_79, %parallel_loop3A_80 : i32
        %parallel_loop3A_82 = arith.index_cast %parallel_loop3A_81 : i32 to index
        %parallel_loop3A_83 = tpu.vector_load %arg18[%parallel_loop3A_82] {strides = array<i32>} : memref<4096xi32, #tpu.memory_space<vmem>>, vector<16xi32>,
        tpu.vector_store %arg18[%parallel_loop3A_82], %broadcast_in_dim3A_4 {strides = array<i32>} : memref<4096xi32, #tpu.memory_space<vmem>>, vector<16xi32>,
      } {sc.loop_unroll_factor = 8 : i64, sc.parallel_access}
      %parallel_loop3A_7 = arith.constant 0 : i32
      %parallel_loop3A_8 = arith.constant 128 : i32
      %parallel_loop3A_9 = arith.constant 1 : i32
      scf.for %parallel_loop3A_79 = %parallel_loop3A_7 to %parallel_loop3A_8 step %parallel_loop3A_9  : i32 {
        %parallel_loop3A_80 = arith.constant 16 : i32
        %parallel_loop3A_81 = arith.muli %parallel_loop3A_79, %parallel_loop3A_80 : i32
        %parallel_loop3A_82 = arith.index_cast %parallel_loop3A_81 : i32 to index
        %parallel_loop3A_83 = tpu.vector_load %arg19[%parallel_loop3A_82] {strides = array<i32>} : memref<2048xi32, #tpu.memory_space<vmem>>, vector<16xi32>,
        tpu.vector_store %arg19[%parallel_loop3A_82], %broadcast_in_dim3A_4 {strides = array<i32>} : memref<2048xi32, #tpu.memory_space<vmem>>, vector<16xi32>,
      } {sc.loop_unroll_factor = 8 : i64, sc.parallel_access}
      %parallel_loop3A_10 = arith.constant 0 : i32
      %parallel_loop3A_11 = arith.constant 1250 : i32
      %parallel_loop3A_12 = arith.constant 1 : i32
      scf.for %parallel_loop3A_79 = %parallel_loop3A_10 to %parallel_loop3A_11 step %parallel_loop3A_12  : i32 {
        %parallel_loop3A_80 = arith.constant 16 : i32
        %parallel_loop3A_81 = arith.muli %parallel_loop3A_79, %parallel_loop3A_80 : i32
        %parallel_loop3A_82 = arith.index_cast %parallel_loop3A_81 : i32 to index
        %parallel_loop3A_83 = tpu.vector_load %arg16[%parallel_loop3A_82] {strides = array<i32>} : memref<20000xi32, #tpu.memory_space<vmem>>, vector<16xi32>,
        %parallel_loop3A_84 = arith.constant 4095 : i32
        %parallel_loop3A_85 = vector.broadcast %parallel_loop3A_84 : i32 to vector<16xi32>
        %parallel_loop3A_86 = arith.andi %parallel_loop3A_83, %parallel_loop3A_85 : vector<16xi32>
        %parallel_loop3A_87 = arith.constant true
        %parallel_loop3A_88 = vector.broadcast %parallel_loop3A_87 : i1 to vector<16xi1>
        %parallel_loop3A_89, %parallel_loop3A_90 = tpu.scan_count mask(%parallel_loop3A_88 : vector<16xi1>) value(%parallel_loop3A_86 : vector<16xi32>) : vector<16xi1>, vector<16xi32>
        tpu.vector_store_idx %arg18[%parallel_loop3A_86], %parallel_loop3A_90 masked %parallel_loop3A_89 {add = true} : memref<4096xi32, #tpu.memory_space<vmem>>[vector<16xi32>], vector<16xi32>, vector<16xi1>
        %parallel_loop3A_91 = arith.constant 12 : i32
        %parallel_loop3A_92 = vector.broadcast %parallel_loop3A_91 : i32 to vector<16xi32>
        %parallel_loop3A_93 = arith.shrui %parallel_loop3A_83, %parallel_loop3A_92 : vector<16xi32>
        %parallel_loop3A_94 = arith.constant true
        %parallel_loop3A_95 = vector.broadcast %parallel_loop3A_94 : i1 to vector<16xi1>
        %parallel_loop3A_96, %parallel_loop3A_97 = tpu.scan_count mask(%parallel_loop3A_95 : vector<16xi1>) value(%parallel_loop3A_93 : vector<16xi32>) : vector<16xi1>, vector<16xi32>
        tpu.vector_store_idx %arg19[%parallel_loop3A_93], %parallel_loop3A_97 masked %parallel_loop3A_96 {add = true} : memref<2048xi32, #tpu.memory_space<vmem>>[vector<16xi32>], vector<16xi32>, vector<16xi1>
      } {sc.loop_unroll_factor = 5 : i64, sc.parallel_access}
      %scan3A = arith.constant 0 : i32
      %scan3A_13 = arith.constant 0 : i32
      %scan3A_14 = arith.constant 256 : i32
      %scan3A_15 = arith.addi %scan3A_13, %scan3A_14 : i32
      %scan3A_16 = arith.constant 1 : i32
      %scan3A_17 = scf.for %scan3A_79 = %scan3A_13 to %scan3A_15 step %scan3A_16 iter_args(%scan3A_80 = %scan3A) -> (i32)  : i32 {
        %sub3A = arith.constant 255 : i32
        %sub3A_81 = arith.subi %sub3A, %scan3A_79 : i32
        %mul3A = arith.constant 16 : i32
        %mul3A_82 = arith.muli %sub3A_81, %mul3A : i32
        %get3A = arith.index_cast %mul3A_82 : i32 to index
        %get3A_83 = tpu.vector_load %arg18[%get3A] {strides = array<i32>} : memref<4096xi32, #tpu.memory_space<vmem>>, vector<16xi32>,
        %rev3A = arith.constant 15 : i32
        %rev3A_84 = vector.broadcast %rev3A : i32 to vector<16xi32>
        %rev3A_85 = tpu.iota {dimensions = array<i32: 0>} : vector<16xi32>
        %rev3A_86 = arith.subi %rev3A_84, %rev3A_85 : vector<16xi32>
        %rev3A_87 = tpu.dynamic_gather %get3A_83[%rev3A_86] in [0] : vector<16xi32>, vector<16xi32> -> vector<16xi32>
        %broadcast_in_dim3A_88 = arith.constant true
        %broadcast_in_dim3A_89 = vector.broadcast %broadcast_in_dim3A_88 : i1 to vector<16xi1>
        %masked_cumsum3A = tpu.scan <sum>, %rev3A_87 masked %broadcast_in_dim3A_89 : vector<16xi32>, vector<16xi1> -> vector<16xi32>
        %rev3A_90 = arith.constant 15 : i32
        %rev3A_91 = vector.broadcast %rev3A_90 : i32 to vector<16xi32>
        %rev3A_92 = tpu.iota {dimensions = array<i32: 0>} : vector<16xi32>
        %rev3A_93 = arith.subi %rev3A_91, %rev3A_92 : vector<16xi32>
        %rev3A_94 = tpu.dynamic_gather %masked_cumsum3A[%rev3A_93] in [0] : vector<16xi32>, vector<16xi32> -> vector<16xi32>
        %add3A = vector.broadcast %scan3A_80 : i32 to vector<16xi32>
        %add3A_95 = arith.addi %add3A, %rev3A_94 : vector<16xi32>
        %sub3A_96 = arith.subi %add3A_95, %get3A_83 : vector<16xi32>
        %mul3A_97 = arith.constant 16 : i32
        %mul3A_98 = arith.muli %sub3A_81, %mul3A_97 : i32
        %swap3A_99 = arith.index_cast %mul3A_98 : i32 to index
        %swap3A_100 = tpu.vector_load %arg18[%swap3A_99] {strides = array<i32>} : memref<4096xi32, #tpu.memory_space<vmem>>, vector<16xi32>,
        tpu.vector_store %arg18[%swap3A_99], %sub3A_96 {strides = array<i32>} : memref<4096xi32, #tpu.memory_space<vmem>>, vector<16xi32>,
        %reduce_sum3A = arith.constant true
        %reduce_sum3A_101 = vector.broadcast %reduce_sum3A : i1 to vector<16xi1>
        %reduce_sum3A_102 = tpu.scan <sum>, %get3A_83 masked %reduce_sum3A_101 : vector<16xi32>, vector<16xi1> -> vector<16xi32>
        %reduce_sum3A_103 = vector.extract %reduce_sum3A_102[15] : i32 from vector<16xi32>
        %add3A_104 = arith.addi %scan3A_80, %reduce_sum3A_103 : i32
        scf.yield %add3A_104 : i32
      }
      %scan3A_18 = arith.constant 256 : i32
      %scan3A_19 = arith.constant 0 : i32
      %scan3A_20 = arith.constant 0 : i32
      %scan3A_21 = arith.constant 128 : i32
      %scan3A_22 = arith.addi %scan3A_20, %scan3A_21 : i32
      %scan3A_23 = arith.constant 1 : i32
      %scan3A_24 = scf.for %scan3A_79 = %scan3A_20 to %scan3A_22 step %scan3A_23 iter_args(%scan3A_80 = %scan3A_19) -> (i32)  : i32 {
        %sub3A = arith.constant 127 : i32
        %sub3A_81 = arith.subi %sub3A, %scan3A_79 : i32
        %mul3A = arith.constant 16 : i32
        %mul3A_82 = arith.muli %sub3A_81, %mul3A : i32
        %get3A = arith.index_cast %mul3A_82 : i32 to index
        %get3A_83 = tpu.vector_load %arg19[%get3A] {strides = array<i32>} : memref<2048xi32, #tpu.memory_space<vmem>>, vector<16xi32>,
        %rev3A = arith.constant 15 : i32
        %rev3A_84 = vector.broadcast %rev3A : i32 to vector<16xi32>
        %rev3A_85 = tpu.iota {dimensions = array<i32: 0>} : vector<16xi32>
        %rev3A_86 = arith.subi %rev3A_84, %rev3A_85 : vector<16xi32>
        %rev3A_87 = tpu.dynamic_gather %get3A_83[%rev3A_86] in [0] : vector<16xi32>, vector<16xi32> -> vector<16xi32>
        %broadcast_in_dim3A_88 = arith.constant true
        %broadcast_in_dim3A_89 = vector.broadcast %broadcast_in_dim3A_88 : i1 to vector<16xi1>
        %masked_cumsum3A = tpu.scan <sum>, %rev3A_87 masked %broadcast_in_dim3A_89 : vector<16xi32>, vector<16xi1> -> vector<16xi32>
        %rev3A_90 = arith.constant 15 : i32
        %rev3A_91 = vector.broadcast %rev3A_90 : i32 to vector<16xi32>
        %rev3A_92 = tpu.iota {dimensions = array<i32: 0>} : vector<16xi32>
        %rev3A_93 = arith.subi %rev3A_91, %rev3A_92 : vector<16xi32>
        %rev3A_94 = tpu.dynamic_gather %masked_cumsum3A[%rev3A_93] in [0] : vector<16xi32>, vector<16xi32> -> vector<16xi32>
        %add3A = vector.broadcast %scan3A_80 : i32 to vector<16xi32>
        %add3A_95 = arith.addi %add3A, %rev3A_94 : vector<16xi32>
        %sub3A_96 = arith.subi %add3A_95, %get3A_83 : vector<16xi32>
        %lt3A = arith.constant 5000 : i32
        %lt3A_97 = arith.cmpi slt, %scan3A_80, %lt3A : i32
        %broadcast_in_dim3A_98 = arith.constant 1073741824 : i32
        %broadcast_in_dim3A_99 = vector.broadcast %broadcast_in_dim3A_98 : i32 to vector<16xi32>
        %select_n3A = arith.select %lt3A_97, %sub3A_96, %broadcast_in_dim3A_99 : vector<16xi32>
        %mul3A_100 = arith.constant 16 : i32
        %mul3A_101 = arith.muli %sub3A_81, %mul3A_100 : i32
        %swap3A_102 = arith.index_cast %mul3A_101 : i32 to index
        %swap3A_103 = tpu.vector_load %arg19[%swap3A_102] {strides = array<i32>} : memref<2048xi32, #tpu.memory_space<vmem>>, vector<16xi32>,
        tpu.vector_store %arg19[%swap3A_102], %select_n3A {strides = array<i32>} : memref<2048xi32, #tpu.memory_space<vmem>>, vector<16xi32>,
        %reduce_sum3A = arith.constant true
        %reduce_sum3A_104 = vector.broadcast %reduce_sum3A : i1 to vector<16xi1>
        %reduce_sum3A_105 = tpu.scan <sum>, %get3A_83 masked %reduce_sum3A_104 : vector<16xi32>, vector<16xi1> -> vector<16xi32>
        %reduce_sum3A_106 = vector.extract %reduce_sum3A_105[15] : i32 from vector<16xi32>
        %add3A_107 = arith.addi %scan3A_80, %reduce_sum3A_106 : i32
        scf.yield %add3A_107 : i32
      }
      %scan3A_25 = arith.constant 128 : i32
      %scan3A_26 = arith.constant 0 : i32
      %scan3A_27 = arith.constant 0 : i32
      %scan3A_28 = arith.constant 250 : i32
      %scan3A_29 = arith.addi %scan3A_27, %scan3A_28 : i32
      %scan3A_30 = arith.constant 1 : i32
      %scan3A_31 = scf.for %scan3A_79 = %scan3A_27 to %scan3A_29 step %scan3A_30 iter_args(%scan3A_80 = %scan3A_26) -> (i32)  : i32 {
        %mul3A = arith.constant 5 : i32
        %mul3A_81 = arith.muli %scan3A_79, %mul3A : i32
        %add3A = arith.constant 0 : i32
        %add3A_82 = arith.addi %mul3A_81, %add3A : i32
        %mul3A_83 = arith.constant 16 : i32
        %mul3A_84 = arith.muli %add3A_82, %mul3A_83 : i32
        %get3A = arith.index_cast %mul3A_84 : i32 to index
        %get3A_85 = tpu.vector_load %arg16[%get3A] {strides = array<i32>} : memref<20000xi32, #tpu.memory_space<vmem>>, vector<16xi32>,
        %and3A_86 = arith.constant 4095 : i32
        %and3A_87 = vector.broadcast %and3A_86 : i32 to vector<16xi32>
        %and3A_88 = arith.andi %get3A_85, %and3A_87 : vector<16xi32>
        %broadcast_in_dim3A_89 = arith.constant true
        %broadcast_in_dim3A_90 = vector.broadcast %broadcast_in_dim3A_89 : i1 to vector<16xi1>
        %unique3A, %unique3A_91 = tpu.scan_count mask(%broadcast_in_dim3A_90 : vector<16xi1>) value(%and3A_88 : vector<16xi32>) : vector<16xi1>, vector<16xi32>
        %gather3A = tpu.vector_load_idx %arg18[%and3A_88] : memref<4096xi32, #tpu.memory_space<vmem>>[vector<16xi32>], vector<16xi32>,
        %add3A_92 = arith.addi %gather3A, %unique3A_91 : vector<16xi32>
        %sub3A = arith.constant 1 : i32
        %sub3A_93 = vector.broadcast %sub3A : i32 to vector<16xi32>
        %sub3A_94 = arith.subi %add3A_92, %sub3A_93 : vector<16xi32>
        %shift_right_logical3A = arith.constant 12 : i32
        %shift_right_logical3A_95 = vector.broadcast %shift_right_logical3A : i32 to vector<16xi32>
        %shift_right_logical3A_96 = arith.shrui %get3A_85, %shift_right_logical3A_95 : vector<16xi32>
        %shift_left3A = arith.constant 15 : i32
        %shift_left3A_97 = vector.broadcast %shift_left3A : i32 to vector<16xi32>
        %shift_left3A_98 = arith.shli %shift_right_logical3A_96, %shift_left3A_97 : vector<16xi32>
        %mul3A_99 = arith.constant 16 : i32
        %mul3A_100 = arith.muli %add3A_82, %mul3A_99 : i32
        %add3A_101 = vector.broadcast %mul3A_100 : i32 to vector<16xi32>
        %add3A_102 = arith.addi %iota3A, %add3A_101 : vector<16xi32>
        %or3A = arith.ori %shift_left3A_98, %add3A_102 : vector<16xi32>
        tpu.vector_store_idx %arg17[%sub3A_94], %or3A : memref<20000xi32, #tpu.memory_space<vmem>>[vector<16xi32>], vector<16xi32>,
        tpu.vector_store_idx %arg18[%and3A_88], %unique3A_91 masked %unique3A {add = true} : memref<4096xi32, #tpu.memory_space<vmem>>[vector<16xi32>], vector<16xi32>, vector<16xi1>
        %mul3A_103 = arith.constant 5 : i32
        %mul3A_104 = arith.muli %scan3A_79, %mul3A_103 : i32
        %add3A_105 = arith.constant 1 : i32
        %add3A_106 = arith.addi %mul3A_104, %add3A_105 : i32
        %mul3A_107 = arith.constant 16 : i32
        %mul3A_108 = arith.muli %add3A_106, %mul3A_107 : i32
        %get3A_109 = arith.index_cast %mul3A_108 : i32 to index
        %get3A_110 = tpu.vector_load %arg16[%get3A_109] {strides = array<i32>} : memref<20000xi32, #tpu.memory_space<vmem>>, vector<16xi32>,
        %and3A_111 = arith.constant 4095 : i32
        %and3A_112 = vector.broadcast %and3A_111 : i32 to vector<16xi32>
        %and3A_113 = arith.andi %get3A_110, %and3A_112 : vector<16xi32>
        %broadcast_in_dim3A_114 = arith.constant true
        %broadcast_in_dim3A_115 = vector.broadcast %broadcast_in_dim3A_114 : i1 to vector<16xi1>
        %unique3A_116, %unique3A_117 = tpu.scan_count mask(%broadcast_in_dim3A_115 : vector<16xi1>) value(%and3A_113 : vector<16xi32>) : vector<16xi1>, vector<16xi32>
        %gather3A_118 = tpu.vector_load_idx %arg18[%and3A_113] : memref<4096xi32, #tpu.memory_space<vmem>>[vector<16xi32>], vector<16xi32>,
        %add3A_119 = arith.addi %gather3A_118, %unique3A_117 : vector<16xi32>
        %sub3A_120 = arith.constant 1 : i32
        %sub3A_121 = vector.broadcast %sub3A_120 : i32 to vector<16xi32>
        %sub3A_122 = arith.subi %add3A_119, %sub3A_121 : vector<16xi32>
        %shift_right_logical3A_123 = arith.constant 12 : i32
        %shift_right_logical3A_124 = vector.broadcast %shift_right_logical3A_123 : i32 to vector<16xi32>
        %shift_right_logical3A_125 = arith.shrui %get3A_110, %shift_right_logical3A_124 : vector<16xi32>
        %shift_left3A_126 = arith.constant 15 : i32
        %shift_left3A_127 = vector.broadcast %shift_left3A_126 : i32 to vector<16xi32>
        %shift_left3A_128 = arith.shli %shift_right_logical3A_125, %shift_left3A_127 : vector<16xi32>
        %mul3A_129 = arith.constant 16 : i32
        %mul3A_130 = arith.muli %add3A_106, %mul3A_129 : i32
        %add3A_131 = vector.broadcast %mul3A_130 : i32 to vector<16xi32>
        %add3A_132 = arith.addi %iota3A, %add3A_131 : vector<16xi32>
        %or3A_133 = arith.ori %shift_left3A_128, %add3A_132 : vector<16xi32>
        tpu.vector_store_idx %arg17[%sub3A_122], %or3A_133 : memref<20000xi32, #tpu.memory_space<vmem>>[vector<16xi32>], vector<16xi32>,
        tpu.vector_store_idx %arg18[%and3A_113], %unique3A_117 masked %unique3A_116 {add = true} : memref<4096xi32, #tpu.memory_space<vmem>>[vector<16xi32>], vector<16xi32>, vector<16xi1>
        %mul3A_134 = arith.constant 5 : i32
        %mul3A_135 = arith.muli %scan3A_79, %mul3A_134 : i32
        %add3A_136 = arith.constant 2 : i32
        %add3A_137 = arith.addi %mul3A_135, %add3A_136 : i32
        %mul3A_138 = arith.constant 16 : i32
        %mul3A_139 = arith.muli %add3A_137, %mul3A_138 : i32
        %get3A_140 = arith.index_cast %mul3A_139 : i32 to index
        %get3A_141 = tpu.vector_load %arg16[%get3A_140] {strides = array<i32>} : memref<20000xi32, #tpu.memory_space<vmem>>, vector<16xi32>,
        %and3A_142 = arith.constant 4095 : i32
        %and3A_143 = vector.broadcast %and3A_142 : i32 to vector<16xi32>
        %and3A_144 = arith.andi %get3A_141, %and3A_143 : vector<16xi32>
        %broadcast_in_dim3A_145 = arith.constant true
        %broadcast_in_dim3A_146 = vector.broadcast %broadcast_in_dim3A_145 : i1 to vector<16xi1>
        %unique3A_147, %unique3A_148 = tpu.scan_count mask(%broadcast_in_dim3A_146 : vector<16xi1>) value(%and3A_144 : vector<16xi32>) : vector<16xi1>, vector<16xi32>
        %gather3A_149 = tpu.vector_load_idx %arg18[%and3A_144] : memref<4096xi32, #tpu.memory_space<vmem>>[vector<16xi32>], vector<16xi32>,
        %add3A_150 = arith.addi %gather3A_149, %unique3A_148 : vector<16xi32>
        %sub3A_151 = arith.constant 1 : i32
        %sub3A_152 = vector.broadcast %sub3A_151 : i32 to vector<16xi32>
        %sub3A_153 = arith.subi %add3A_150, %sub3A_152 : vector<16xi32>
        %shift_right_logical3A_154 = arith.constant 12 : i32
        %shift_right_logical3A_155 = vector.broadcast %shift_right_logical3A_154 : i32 to vector<16xi32>
        %shift_right_logical3A_156 = arith.shrui %get3A_141, %shift_right_logical3A_155 : vector<16xi32>
        %shift_left3A_157 = arith.constant 15 : i32
        %shift_left3A_158 = vector.broadcast %shift_left3A_157 : i32 to vector<16xi32>
        %shift_left3A_159 = arith.shli %shift_right_logical3A_156, %shift_left3A_158 : vector<16xi32>
        %mul3A_160 = arith.constant 16 : i32
        %mul3A_161 = arith.muli %add3A_137, %mul3A_160 : i32
        %add3A_162 = vector.broadcast %mul3A_161 : i32 to vector<16xi32>
        %add3A_163 = arith.addi %iota3A, %add3A_162 : vector<16xi32>
        %or3A_164 = arith.ori %shift_left3A_159, %add3A_163 : vector<16xi32>
        tpu.vector_store_idx %arg17[%sub3A_153], %or3A_164 : memref<20000xi32, #tpu.memory_space<vmem>>[vector<16xi32>], vector<16xi32>,
        tpu.vector_store_idx %arg18[%and3A_144], %unique3A_148 masked %unique3A_147 {add = true} : memref<4096xi32, #tpu.memory_space<vmem>>[vector<16xi32>], vector<16xi32>, vector<16xi1>
        %mul3A_165 = arith.constant 5 : i32
        %mul3A_166 = arith.muli %scan3A_79, %mul3A_165 : i32
        %add3A_167 = arith.constant 3 : i32
        %add3A_168 = arith.addi %mul3A_166, %add3A_167 : i32
        %mul3A_169 = arith.constant 16 : i32
        %mul3A_170 = arith.muli %add3A_168, %mul3A_169 : i32
        %get3A_171 = arith.index_cast %mul3A_170 : i32 to index
        %get3A_172 = tpu.vector_load %arg16[%get3A_171] {strides = array<i32>} : memref<20000xi32, #tpu.memory_space<vmem>>, vector<16xi32>,
        %and3A_173 = arith.constant 4095 : i32
        %and3A_174 = vector.broadcast %and3A_173 : i32 to vector<16xi32>
        %and3A_175 = arith.andi %get3A_172, %and3A_174 : vector<16xi32>
        %broadcast_in_dim3A_176 = arith.constant true
        %broadcast_in_dim3A_177 = vector.broadcast %broadcast_in_dim3A_176 : i1 to vector<16xi1>
        %unique3A_178, %unique3A_179 = tpu.scan_count mask(%broadcast_in_dim3A_177 : vector<16xi1>) value(%and3A_175 : vector<16xi32>) : vector<16xi1>, vector<16xi32>
        %gather3A_180 = tpu.vector_load_idx %arg18[%and3A_175] : memref<4096xi32, #tpu.memory_space<vmem>>[vector<16xi32>], vector<16xi32>,
        %add3A_181 = arith.addi %gather3A_180, %unique3A_179 : vector<16xi32>
        %sub3A_182 = arith.constant 1 : i32
        %sub3A_183 = vector.broadcast %sub3A_182 : i32 to vector<16xi32>
        %sub3A_184 = arith.subi %add3A_181, %sub3A_183 : vector<16xi32>
        %shift_right_logical3A_185 = arith.constant 12 : i32
        %shift_right_logical3A_186 = vector.broadcast %shift_right_logical3A_185 : i32 to vector<16xi32>
        %shift_right_logical3A_187 = arith.shrui %get3A_172, %shift_right_logical3A_186 : vector<16xi32>
        %shift_left3A_188 = arith.constant 15 : i32
        %shift_left3A_189 = vector.broadcast %shift_left3A_188 : i32 to vector<16xi32>
        %shift_left3A_190 = arith.shli %shift_right_logical3A_187, %shift_left3A_189 : vector<16xi32>
        %mul3A_191 = arith.constant 16 : i32
        %mul3A_192 = arith.muli %add3A_168, %mul3A_191 : i32
        %add3A_193 = vector.broadcast %mul3A_192 : i32 to vector<16xi32>
        %add3A_194 = arith.addi %iota3A, %add3A_193 : vector<16xi32>
        %or3A_195 = arith.ori %shift_left3A_190, %add3A_194 : vector<16xi32>
        tpu.vector_store_idx %arg17[%sub3A_184], %or3A_195 : memref<20000xi32, #tpu.memory_space<vmem>>[vector<16xi32>], vector<16xi32>,
        tpu.vector_store_idx %arg18[%and3A_175], %unique3A_179 masked %unique3A_178 {add = true} : memref<4096xi32, #tpu.memory_space<vmem>>[vector<16xi32>], vector<16xi32>, vector<16xi1>
        %mul3A_196 = arith.constant 5 : i32
        %mul3A_197 = arith.muli %scan3A_79, %mul3A_196 : i32
        %add3A_198 = arith.constant 4 : i32
        %add3A_199 = arith.addi %mul3A_197, %add3A_198 : i32
        %mul3A_200 = arith.constant 16 : i32
        %mul3A_201 = arith.muli %add3A_199, %mul3A_200 : i32
        %get3A_202 = arith.index_cast %mul3A_201 : i32 to index
        %get3A_203 = tpu.vector_load %arg16[%get3A_202] {strides = array<i32>} : memref<20000xi32, #tpu.memory_space<vmem>>, vector<16xi32>,
        %and3A_204 = arith.constant 4095 : i32
        %and3A_205 = vector.broadcast %and3A_204 : i32 to vector<16xi32>
        %and3A_206 = arith.andi %get3A_203, %and3A_205 : vector<16xi32>
        %broadcast_in_dim3A_207 = arith.constant true
        %broadcast_in_dim3A_208 = vector.broadcast %broadcast_in_dim3A_207 : i1 to vector<16xi1>
        %unique3A_209, %unique3A_210 = tpu.scan_count mask(%broadcast_in_dim3A_208 : vector<16xi1>) value(%and3A_206 : vector<16xi32>) : vector<16xi1>, vector<16xi32>
        %gather3A_211 = tpu.vector_load_idx %arg18[%and3A_206] : memref<4096xi32, #tpu.memory_space<vmem>>[vector<16xi32>], vector<16xi32>,
        %add3A_212 = arith.addi %gather3A_211, %unique3A_210 : vector<16xi32>
        %sub3A_213 = arith.constant 1 : i32
        %sub3A_214 = vector.broadcast %sub3A_213 : i32 to vector<16xi32>
        %sub3A_215 = arith.subi %add3A_212, %sub3A_214 : vector<16xi32>
        %shift_right_logical3A_216 = arith.constant 12 : i32
        %shift_right_logical3A_217 = vector.broadcast %shift_right_logical3A_216 : i32 to vector<16xi32>
        %shift_right_logical3A_218 = arith.shrui %get3A_203, %shift_right_logical3A_217 : vector<16xi32>
        %shift_left3A_219 = arith.constant 15 : i32
        %shift_left3A_220 = vector.broadcast %shift_left3A_219 : i32 to vector<16xi32>
        %shift_left3A_221 = arith.shli %shift_right_logical3A_218, %shift_left3A_220 : vector<16xi32>
        %mul3A_222 = arith.constant 16 : i32
        %mul3A_223 = arith.muli %add3A_199, %mul3A_222 : i32
        %add3A_224 = vector.broadcast %mul3A_223 : i32 to vector<16xi32>
        %add3A_225 = arith.addi %iota3A, %add3A_224 : vector<16xi32>
        %or3A_226 = arith.ori %shift_left3A_221, %add3A_225 : vector<16xi32>
        tpu.vector_store_idx %arg17[%sub3A_215], %or3A_226 : memref<20000xi32, #tpu.memory_space<vmem>>[vector<16xi32>], vector<16xi32>,
        tpu.vector_store_idx %arg18[%and3A_206], %unique3A_210 masked %unique3A_209 {add = true} : memref<4096xi32, #tpu.memory_space<vmem>>[vector<16xi32>], vector<16xi32>, vector<16xi1>
        %scan3A_227 = arith.constant 0 : i32
        scf.yield %scan3A_227 : i32
      }
      %scan3A_32 = arith.constant 250 : i32
      %swap3A = arith.constant 4992 : index
      %swap3A_33 = tpu.vector_load %arg20[%swap3A] {strides = array<i32>} : memref<5120xi32, #tpu.memory_space<vmem>>, vector<16xi32>,
      tpu.vector_store %arg20[%swap3A], %broadcast_in_dim3A_4 {strides = array<i32>} : memref<5120xi32, #tpu.memory_space<vmem>>, vector<16xi32>,
      %swap3A_34 = arith.constant 5008 : index
      %swap3A_35 = tpu.vector_load %arg20[%swap3A_34] {strides = array<i32>} : memref<5120xi32, #tpu.memory_space<vmem>>, vector<16xi32>,
      tpu.vector_store %arg20[%swap3A_34], %broadcast_in_dim3A_4 {strides = array<i32>} : memref<5120xi32, #tpu.memory_space<vmem>>, vector<16xi32>,
      %swap3A_36 = arith.constant 5024 : index
      %swap3A_37 = tpu.vector_load %arg20[%swap3A_36] {strides = array<i32>} : memref<5120xi32, #tpu.memory_space<vmem>>, vector<16xi32>,
      tpu.vector_store %arg20[%swap3A_36], %broadcast_in_dim3A_4 {strides = array<i32>} : memref<5120xi32, #tpu.memory_space<vmem>>, vector<16xi32>,
      %swap3A_38 = arith.constant 5040 : index
      %swap3A_39 = tpu.vector_load %arg20[%swap3A_38] {strides = array<i32>} : memref<5120xi32, #tpu.memory_space<vmem>>, vector<16xi32>,
      tpu.vector_store %arg20[%swap3A_38], %broadcast_in_dim3A_4 {strides = array<i32>} : memref<5120xi32, #tpu.memory_space<vmem>>, vector<16xi32>,
      %swap3A_40 = arith.constant 5056 : index
      %swap3A_41 = tpu.vector_load %arg20[%swap3A_40] {strides = array<i32>} : memref<5120xi32, #tpu.memory_space<vmem>>, vector<16xi32>,
      tpu.vector_store %arg20[%swap3A_40], %broadcast_in_dim3A_4 {strides = array<i32>} : memref<5120xi32, #tpu.memory_space<vmem>>, vector<16xi32>,
      %swap3A_42 = arith.constant 5072 : index
      %swap3A_43 = tpu.vector_load %arg20[%swap3A_42] {strides = array<i32>} : memref<5120xi32, #tpu.memory_space<vmem>>, vector<16xi32>,
      tpu.vector_store %arg20[%swap3A_42], %broadcast_in_dim3A_4 {strides = array<i32>} : memref<5120xi32, #tpu.memory_space<vmem>>, vector<16xi32>,
      %swap3A_44 = arith.constant 5088 : index
      %swap3A_45 = tpu.vector_load %arg20[%swap3A_44] {strides = array<i32>} : memref<5120xi32, #tpu.memory_space<vmem>>, vector<16xi32>,
      tpu.vector_store %arg20[%swap3A_44], %broadcast_in_dim3A_4 {strides = array<i32>} : memref<5120xi32, #tpu.memory_space<vmem>>, vector<16xi32>,
      %swap3A_46 = arith.constant 5104 : index
      %swap3A_47 = tpu.vector_load %arg20[%swap3A_46] {strides = array<i32>} : memref<5120xi32, #tpu.memory_space<vmem>>, vector<16xi32>,
      tpu.vector_store %arg20[%swap3A_46], %broadcast_in_dim3A_4 {strides = array<i32>} : memref<5120xi32, #tpu.memory_space<vmem>>, vector<16xi32>,
      %scan3A_48 = arith.constant 0 : i32
      %scan3A_49 = arith.constant 0 : i32
      %scan3A_50 = arith.constant 250 : i32
      %scan3A_51 = arith.addi %scan3A_49, %scan3A_50 : i32
      %scan3A_52 = arith.constant 1 : i32
      %scan3A_53 = scf.for %scan3A_79 = %scan3A_49 to %scan3A_51 step %scan3A_52 iter_args(%scan3A_80 = %scan3A_48) -> (i32)  : i32 {
        %mul3A = arith.constant 5 : i32
        %mul3A_81 = arith.muli %scan3A_79, %mul3A : i32
        %add3A = arith.constant 0 : i32
        %add3A_82 = arith.addi %mul3A_81, %add3A : i32
        %mul3A_83 = arith.constant 16 : i32
        %mul3A_84 = arith.muli %add3A_82, %mul3A_83 : i32
        %get3A = arith.index_cast %mul3A_84 : i32 to index
        %get3A_85 = tpu.vector_load %arg17[%get3A] {strides = array<i32>} : memref<20000xi32, #tpu.memory_space<vmem>>, vector<16xi32>,
        %shift_right_logical3A = arith.constant 15 : i32
        %shift_right_logical3A_86 = vector.broadcast %shift_right_logical3A : i32 to vector<16xi32>
        %shift_right_logical3A_87 = arith.shrui %get3A_85, %shift_right_logical3A_86 : vector<16xi32>
        %broadcast_in_dim3A_88 = arith.constant true
        %broadcast_in_dim3A_89 = vector.broadcast %broadcast_in_dim3A_88 : i1 to vector<16xi1>
        %unique3A, %unique3A_90 = tpu.scan_count mask(%broadcast_in_dim3A_89 : vector<16xi1>) value(%shift_right_logical3A_87 : vector<16xi32>) : vector<16xi1>, vector<16xi32>
        %gather3A = tpu.vector_load_idx %arg19[%shift_right_logical3A_87] : memref<2048xi32, #tpu.memory_space<vmem>>[vector<16xi32>], vector<16xi32>,
        %add3A_91 = arith.addi %gather3A, %unique3A_90 : vector<16xi32>
        %sub3A = arith.constant 1 : i32
        %sub3A_92 = vector.broadcast %sub3A : i32 to vector<16xi32>
        %sub3A_93 = arith.subi %add3A_91, %sub3A_92 : vector<16xi32>
        %and3A_94 = arith.constant 32767 : i32
        %and3A_95 = vector.broadcast %and3A_94 : i32 to vector<16xi32>
        %and3A_96 = arith.andi %get3A_85, %and3A_95 : vector<16xi32>
        %lt3A = arith.constant 5000 : i32
        %lt3A_97 = vector.broadcast %lt3A : i32 to vector<16xi32>
        %lt3A_98 = arith.cmpi slt, %sub3A_93, %lt3A_97 : vector<16xi32>
        tpu.vector_store_idx %arg20[%sub3A_93], %and3A_96 masked %lt3A_98 : memref<5120xi32, #tpu.memory_space<vmem>>[vector<16xi32>], vector<16xi32>, vector<16xi1>
        tpu.vector_store_idx %arg19[%shift_right_logical3A_87], %unique3A_90 masked %unique3A {add = true} : memref<2048xi32, #tpu.memory_space<vmem>>[vector<16xi32>], vector<16xi32>, vector<16xi1>
        %mul3A_99 = arith.constant 5 : i32
        %mul3A_100 = arith.muli %scan3A_79, %mul3A_99 : i32
        %add3A_101 = arith.constant 1 : i32
        %add3A_102 = arith.addi %mul3A_100, %add3A_101 : i32
        %mul3A_103 = arith.constant 16 : i32
        %mul3A_104 = arith.muli %add3A_102, %mul3A_103 : i32
        %get3A_105 = arith.index_cast %mul3A_104 : i32 to index
        %get3A_106 = tpu.vector_load %arg17[%get3A_105] {strides = array<i32>} : memref<20000xi32, #tpu.memory_space<vmem>>, vector<16xi32>,
        %shift_right_logical3A_107 = arith.constant 15 : i32
        %shift_right_logical3A_108 = vector.broadcast %shift_right_logical3A_107 : i32 to vector<16xi32>
        %shift_right_logical3A_109 = arith.shrui %get3A_106, %shift_right_logical3A_108 : vector<16xi32>
        %broadcast_in_dim3A_110 = arith.constant true
        %broadcast_in_dim3A_111 = vector.broadcast %broadcast_in_dim3A_110 : i1 to vector<16xi1>
        %unique3A_112, %unique3A_113 = tpu.scan_count mask(%broadcast_in_dim3A_111 : vector<16xi1>) value(%shift_right_logical3A_109 : vector<16xi32>) : vector<16xi1>, vector<16xi32>
        %gather3A_114 = tpu.vector_load_idx %arg19[%shift_right_logical3A_109] : memref<2048xi32, #tpu.memory_space<vmem>>[vector<16xi32>], vector<16xi32>,
        %add3A_115 = arith.addi %gather3A_114, %unique3A_113 : vector<16xi32>
        %sub3A_116 = arith.constant 1 : i32
        %sub3A_117 = vector.broadcast %sub3A_116 : i32 to vector<16xi32>
        %sub3A_118 = arith.subi %add3A_115, %sub3A_117 : vector<16xi32>
        %and3A_119 = arith.constant 32767 : i32
        %and3A_120 = vector.broadcast %and3A_119 : i32 to vector<16xi32>
        %and3A_121 = arith.andi %get3A_106, %and3A_120 : vector<16xi32>
        %lt3A_122 = arith.constant 5000 : i32
        %lt3A_123 = vector.broadcast %lt3A_122 : i32 to vector<16xi32>
        %lt3A_124 = arith.cmpi slt, %sub3A_118, %lt3A_123 : vector<16xi32>
        tpu.vector_store_idx %arg20[%sub3A_118], %and3A_121 masked %lt3A_124 : memref<5120xi32, #tpu.memory_space<vmem>>[vector<16xi32>], vector<16xi32>, vector<16xi1>
        tpu.vector_store_idx %arg19[%shift_right_logical3A_109], %unique3A_113 masked %unique3A_112 {add = true} : memref<2048xi32, #tpu.memory_space<vmem>>[vector<16xi32>], vector<16xi32>, vector<16xi1>
        %mul3A_125 = arith.constant 5 : i32
        %mul3A_126 = arith.muli %scan3A_79, %mul3A_125 : i32
        %add3A_127 = arith.constant 2 : i32
        %add3A_128 = arith.addi %mul3A_126, %add3A_127 : i32
        %mul3A_129 = arith.constant 16 : i32
        %mul3A_130 = arith.muli %add3A_128, %mul3A_129 : i32
        %get3A_131 = arith.index_cast %mul3A_130 : i32 to index
        %get3A_132 = tpu.vector_load %arg17[%get3A_131] {strides = array<i32>} : memref<20000xi32, #tpu.memory_space<vmem>>, vector<16xi32>,
        %shift_right_logical3A_133 = arith.constant 15 : i32
        %shift_right_logical3A_134 = vector.broadcast %shift_right_logical3A_133 : i32 to vector<16xi32>
        %shift_right_logical3A_135 = arith.shrui %get3A_132, %shift_right_logical3A_134 : vector<16xi32>
        %broadcast_in_dim3A_136 = arith.constant true
        %broadcast_in_dim3A_137 = vector.broadcast %broadcast_in_dim3A_136 : i1 to vector<16xi1>
        %unique3A_138, %unique3A_139 = tpu.scan_count mask(%broadcast_in_dim3A_137 : vector<16xi1>) value(%shift_right_logical3A_135 : vector<16xi32>) : vector<16xi1>, vector<16xi32>
        %gather3A_140 = tpu.vector_load_idx %arg19[%shift_right_logical3A_135] : memref<2048xi32, #tpu.memory_space<vmem>>[vector<16xi32>], vector<16xi32>,
        %add3A_141 = arith.addi %gather3A_140, %unique3A_139 : vector<16xi32>
        %sub3A_142 = arith.constant 1 : i32
        %sub3A_143 = vector.broadcast %sub3A_142 : i32 to vector<16xi32>
        %sub3A_144 = arith.subi %add3A_141, %sub3A_143 : vector<16xi32>
        %and3A_145 = arith.constant 32767 : i32
        %and3A_146 = vector.broadcast %and3A_145 : i32 to vector<16xi32>
        %and3A_147 = arith.andi %get3A_132, %and3A_146 : vector<16xi32>
        %lt3A_148 = arith.constant 5000 : i32
        %lt3A_149 = vector.broadcast %lt3A_148 : i32 to vector<16xi32>
        %lt3A_150 = arith.cmpi slt, %sub3A_144, %lt3A_149 : vector<16xi32>
        tpu.vector_store_idx %arg20[%sub3A_144], %and3A_147 masked %lt3A_150 : memref<5120xi32, #tpu.memory_space<vmem>>[vector<16xi32>], vector<16xi32>, vector<16xi1>
        tpu.vector_store_idx %arg19[%shift_right_logical3A_135], %unique3A_139 masked %unique3A_138 {add = true} : memref<2048xi32, #tpu.memory_space<vmem>>[vector<16xi32>], vector<16xi32>, vector<16xi1>
        %mul3A_151 = arith.constant 5 : i32
        %mul3A_152 = arith.muli %scan3A_79, %mul3A_151 : i32
        %add3A_153 = arith.constant 3 : i32
        %add3A_154 = arith.addi %mul3A_152, %add3A_153 : i32
        %mul3A_155 = arith.constant 16 : i32
        %mul3A_156 = arith.muli %add3A_154, %mul3A_155 : i32
        %get3A_157 = arith.index_cast %mul3A_156 : i32 to index
        %get3A_158 = tpu.vector_load %arg17[%get3A_157] {strides = array<i32>} : memref<20000xi32, #tpu.memory_space<vmem>>, vector<16xi32>,
        %shift_right_logical3A_159 = arith.constant 15 : i32
        %shift_right_logical3A_160 = vector.broadcast %shift_right_logical3A_159 : i32 to vector<16xi32>
        %shift_right_logical3A_161 = arith.shrui %get3A_158, %shift_right_logical3A_160 : vector<16xi32>
        %broadcast_in_dim3A_162 = arith.constant true
        %broadcast_in_dim3A_163 = vector.broadcast %broadcast_in_dim3A_162 : i1 to vector<16xi1>
        %unique3A_164, %unique3A_165 = tpu.scan_count mask(%broadcast_in_dim3A_163 : vector<16xi1>) value(%shift_right_logical3A_161 : vector<16xi32>) : vector<16xi1>, vector<16xi32>
        %gather3A_166 = tpu.vector_load_idx %arg19[%shift_right_logical3A_161] : memref<2048xi32, #tpu.memory_space<vmem>>[vector<16xi32>], vector<16xi32>,
        %add3A_167 = arith.addi %gather3A_166, %unique3A_165 : vector<16xi32>
        %sub3A_168 = arith.constant 1 : i32
        %sub3A_169 = vector.broadcast %sub3A_168 : i32 to vector<16xi32>
        %sub3A_170 = arith.subi %add3A_167, %sub3A_169 : vector<16xi32>
        %and3A_171 = arith.constant 32767 : i32
        %and3A_172 = vector.broadcast %and3A_171 : i32 to vector<16xi32>
        %and3A_173 = arith.andi %get3A_158, %and3A_172 : vector<16xi32>
        %lt3A_174 = arith.constant 5000 : i32
        %lt3A_175 = vector.broadcast %lt3A_174 : i32 to vector<16xi32>
        %lt3A_176 = arith.cmpi slt, %sub3A_170, %lt3A_175 : vector<16xi32>
        tpu.vector_store_idx %arg20[%sub3A_170], %and3A_173 masked %lt3A_176 : memref<5120xi32, #tpu.memory_space<vmem>>[vector<16xi32>], vector<16xi32>, vector<16xi1>
        tpu.vector_store_idx %arg19[%shift_right_logical3A_161], %unique3A_165 masked %unique3A_164 {add = true} : memref<2048xi32, #tpu.memory_space<vmem>>[vector<16xi32>], vector<16xi32>, vector<16xi1>
        %mul3A_177 = arith.constant 5 : i32
        %mul3A_178 = arith.muli %scan3A_79, %mul3A_177 : i32
        %add3A_179 = arith.constant 4 : i32
        %add3A_180 = arith.addi %mul3A_178, %add3A_179 : i32
        %mul3A_181 = arith.constant 16 : i32
        %mul3A_182 = arith.muli %add3A_180, %mul3A_181 : i32
        %get3A_183 = arith.index_cast %mul3A_182 : i32 to index
        %get3A_184 = tpu.vector_load %arg17[%get3A_183] {strides = array<i32>} : memref<20000xi32, #tpu.memory_space<vmem>>, vector<16xi32>,
        %shift_right_logical3A_185 = arith.constant 15 : i32
        %shift_right_logical3A_186 = vector.broadcast %shift_right_logical3A_185 : i32 to vector<16xi32>
        %shift_right_logical3A_187 = arith.shrui %get3A_184, %shift_right_logical3A_186 : vector<16xi32>
        %broadcast_in_dim3A_188 = arith.constant true
        %broadcast_in_dim3A_189 = vector.broadcast %broadcast_in_dim3A_188 : i1 to vector<16xi1>
        %unique3A_190, %unique3A_191 = tpu.scan_count mask(%broadcast_in_dim3A_189 : vector<16xi1>) value(%shift_right_logical3A_187 : vector<16xi32>) : vector<16xi1>, vector<16xi32>
        %gather3A_192 = tpu.vector_load_idx %arg19[%shift_right_logical3A_187] : memref<2048xi32, #tpu.memory_space<vmem>>[vector<16xi32>], vector<16xi32>,
        %add3A_193 = arith.addi %gather3A_192, %unique3A_191 : vector<16xi32>
        %sub3A_194 = arith.constant 1 : i32
        %sub3A_195 = vector.broadcast %sub3A_194 : i32 to vector<16xi32>
        %sub3A_196 = arith.subi %add3A_193, %sub3A_195 : vector<16xi32>
        %and3A_197 = arith.constant 32767 : i32
        %and3A_198 = vector.broadcast %and3A_197 : i32 to vector<16xi32>
        %and3A_199 = arith.andi %get3A_184, %and3A_198 : vector<16xi32>
        %lt3A_200 = arith.constant 5000 : i32
        %lt3A_201 = vector.broadcast %lt3A_200 : i32 to vector<16xi32>
        %lt3A_202 = arith.cmpi slt, %sub3A_196, %lt3A_201 : vector<16xi32>
        tpu.vector_store_idx %arg20[%sub3A_196], %and3A_199 masked %lt3A_202 : memref<5120xi32, #tpu.memory_space<vmem>>[vector<16xi32>], vector<16xi32>, vector<16xi1>
        tpu.vector_store_idx %arg19[%shift_right_logical3A_187], %unique3A_191 masked %unique3A_190 {add = true} : memref<2048xi32, #tpu.memory_space<vmem>>[vector<16xi32>], vector<16xi32>, vector<16xi1>
        %scan3A_203 = arith.constant 0 : i32
        scf.yield %scan3A_203 : i32
      }
      %scan3A_54 = arith.constant 250 : i32
      "tpu.region"() ({
        %run_scoped3A = tpu.sem_alloc : memref<!tpu.dma_semaphore, #tpu.memory_space<semaphore_mem>>
        tpu.enqueue_dma source(%arg3 : memref<20000xi32, #tpu.memory_space<hbm>>) target(%arg21 : memref<20000xi32, #tpu.memory_space<vmem>>) target_semaphore(%run_scoped3A : memref<!tpu.dma_semaphore, #tpu.memory_space<semaphore_mem>>)
        tpu.wait_dma2 semaphore(%run_scoped3A : memref<!tpu.dma_semaphore, #tpu.memory_space<semaphore_mem>>) src(%arg3 : memref<20000xi32, #tpu.memory_space<hbm>>) dst(%arg21 : memref<20000xi32, #tpu.memory_space<vmem>>)
        tpu.yield
      }) : () -> ()
      %parallel_loop3A_55 = arith.constant 0 : i32
      %parallel_loop3A_56 = arith.constant 320 : i32
      %parallel_loop3A_57 = arith.constant 1 : i32
      scf.for %parallel_loop3A_79 = %parallel_loop3A_55 to %parallel_loop3A_56 step %parallel_loop3A_57  : i32 {
        %parallel_loop3A_80 = arith.constant 16 : i32
        %parallel_loop3A_81 = arith.muli %parallel_loop3A_79, %parallel_loop3A_80 : i32
        %parallel_loop3A_82 = arith.index_cast %parallel_loop3A_81 : i32 to index
        %parallel_loop3A_83 = tpu.vector_load %arg20[%parallel_loop3A_82] {strides = array<i32>} : memref<5120xi32, #tpu.memory_space<vmem>>, vector<16xi32>,
        %parallel_loop3A_84 = tpu.vector_load_idx %arg21[%parallel_loop3A_83] : memref<20000xi32, #tpu.memory_space<vmem>>[vector<16xi32>], vector<16xi32>,
        %parallel_loop3A_85 = arith.constant 16 : i32
        %parallel_loop3A_86 = arith.muli %parallel_loop3A_79, %parallel_loop3A_85 : i32
        %parallel_loop3A_87 = arith.index_cast %parallel_loop3A_86 : i32 to index
        %parallel_loop3A_88 = tpu.vector_load %arg22[%parallel_loop3A_87] {strides = array<i32>} : memref<5120xi32, #tpu.memory_space<vmem>>, vector<16xi32>,
        tpu.vector_store %arg22[%parallel_loop3A_87], %parallel_loop3A_84 {strides = array<i32>} : memref<5120xi32, #tpu.memory_space<vmem>>, vector<16xi32>,
      } {sc.loop_unroll_factor = 8 : i64, sc.parallel_access}
      "tpu.region"() ({
        %run_scoped3A = tpu.sem_alloc : memref<!tpu.dma_semaphore, #tpu.memory_space<semaphore_mem>>
        %dma_start3A = arith.constant 0 : i32
        %dma_start3A_79 = tpu.memref_slice %arg22[%dma_start3A] : memref<5120xi32, #tpu.memory_space<vmem>> -> memref<5000xi32, #tpu.memory_space<vmem>>
        %dma_start3A_80 = arith.constant 0 : i32
        %dma_start3A_81 = tpu.memref_slice %arg22[%dma_start3A_80] : memref<5120xi32, #tpu.memory_space<vmem>> -> memref<5000xi32, #tpu.memory_space<vmem>>
        tpu.enqueue_dma source(%dma_start3A_81 : memref<5000xi32, #tpu.memory_space<vmem>>) target(%arg9 : memref<5000xi32, #tpu.memory_space<hbm>>) target_semaphore(%run_scoped3A : memref<!tpu.dma_semaphore, #tpu.memory_space<semaphore_mem>>)
        %dma_wait3A = arith.constant 0 : i32
        %dma_wait3A_82 = tpu.memref_slice %arg22[%dma_wait3A] : memref<5120xi32, #tpu.memory_space<vmem>> -> memref<5000xi32, #tpu.memory_space<vmem>>
        %dma_wait3A_83 = arith.constant 0 : i32
        %dma_wait3A_84 = tpu.memref_slice %arg22[%dma_wait3A_83] : memref<5120xi32, #tpu.memory_space<vmem>> -> memref<5000xi32, #tpu.memory_space<vmem>>
        tpu.wait_dma2 semaphore(%run_scoped3A : memref<!tpu.dma_semaphore, #tpu.memory_space<semaphore_mem>>) src(%dma_wait3A_84 : memref<5000xi32, #tpu.memory_space<vmem>>) dst(%arg9 : memref<5000xi32, #tpu.memory_space<hbm>>)
        tpu.yield
      }) : () -> ()
      "tpu.region"() ({
        %run_scoped3A = tpu.sem_alloc : memref<!tpu.dma_semaphore, #tpu.memory_space<semaphore_mem>>
        tpu.enqueue_dma source(%arg4 : memref<20000xi32, #tpu.memory_space<hbm>>) target(%arg21 : memref<20000xi32, #tpu.memory_space<vmem>>) target_semaphore(%run_scoped3A : memref<!tpu.dma_semaphore, #tpu.memory_space<semaphore_mem>>)
        tpu.wait_dma2 semaphore(%run_scoped3A : memref<!tpu.dma_semaphore, #tpu.memory_space<semaphore_mem>>) src(%arg4 : memref<20000xi32, #tpu.memory_space<hbm>>) dst(%arg21 : memref<20000xi32, #tpu.memory_space<vmem>>)
        tpu.yield
      }) : () -> ()
      %parallel_loop3A_58 = arith.constant 0 : i32
      %parallel_loop3A_59 = arith.constant 320 : i32
      %parallel_loop3A_60 = arith.constant 1 : i32
      scf.for %parallel_loop3A_79 = %parallel_loop3A_58 to %parallel_loop3A_59 step %parallel_loop3A_60  : i32 {
        %parallel_loop3A_80 = arith.constant 16 : i32
        %parallel_loop3A_81 = arith.muli %parallel_loop3A_79, %parallel_loop3A_80 : i32
        %parallel_loop3A_82 = arith.index_cast %parallel_loop3A_81 : i32 to index
        %parallel_loop3A_83 = tpu.vector_load %arg20[%parallel_loop3A_82] {strides = array<i32>} : memref<5120xi32, #tpu.memory_space<vmem>>, vector<16xi32>,
        %parallel_loop3A_84 = tpu.vector_load_idx %arg21[%parallel_loop3A_83] : memref<20000xi32, #tpu.memory_space<vmem>>[vector<16xi32>], vector<16xi32>,
        %parallel_loop3A_85 = arith.constant 16 : i32
        %parallel_loop3A_86 = arith.muli %parallel_loop3A_79, %parallel_loop3A_85 : i32
        %parallel_loop3A_87 = arith.index_cast %parallel_loop3A_86 : i32 to index
        %parallel_loop3A_88 = tpu.vector_load %arg22[%parallel_loop3A_87] {strides = array<i32>} : memref<5120xi32, #tpu.memory_space<vmem>>, vector<16xi32>,
        tpu.vector_store %arg22[%parallel_loop3A_87], %parallel_loop3A_84 {strides = array<i32>} : memref<5120xi32, #tpu.memory_space<vmem>>, vector<16xi32>,
      } {sc.loop_unroll_factor = 8 : i64, sc.parallel_access}
      "tpu.region"() ({
        %run_scoped3A = tpu.sem_alloc : memref<!tpu.dma_semaphore, #tpu.memory_space<semaphore_mem>>
        %dma_start3A = arith.constant 0 : i32
        %dma_start3A_79 = tpu.memref_slice %arg22[%dma_start3A] : memref<5120xi32, #tpu.memory_space<vmem>> -> memref<5000xi32, #tpu.memory_space<vmem>>
        %dma_start3A_80 = arith.constant 0 : i32
        %dma_start3A_81 = tpu.memref_slice %arg22[%dma_start3A_80] : memref<5120xi32, #tpu.memory_space<vmem>> -> memref<5000xi32, #tpu.memory_space<vmem>>
        tpu.enqueue_dma source(%dma_start3A_81 : memref<5000xi32, #tpu.memory_space<vmem>>) target(%arg10 : memref<5000xi32, #tpu.memory_space<hbm>>) target_semaphore(%run_scoped3A : memref<!tpu.dma_semaphore, #tpu.memory_space<semaphore_mem>>)
        %dma_wait3A = arith.constant 0 : i32
        %dma_wait3A_82 = tpu.memref_slice %arg22[%dma_wait3A] : memref<5120xi32, #tpu.memory_space<vmem>> -> memref<5000xi32, #tpu.memory_space<vmem>>
        %dma_wait3A_83 = arith.constant 0 : i32
        %dma_wait3A_84 = tpu.memref_slice %arg22[%dma_wait3A_83] : memref<5120xi32, #tpu.memory_space<vmem>> -> memref<5000xi32, #tpu.memory_space<vmem>>
        tpu.wait_dma2 semaphore(%run_scoped3A : memref<!tpu.dma_semaphore, #tpu.memory_space<semaphore_mem>>) src(%dma_wait3A_84 : memref<5000xi32, #tpu.memory_space<vmem>>) dst(%arg10 : memref<5000xi32, #tpu.memory_space<hbm>>)
        tpu.yield
      }) : () -> ()
      "tpu.region"() ({
        %run_scoped3A = tpu.sem_alloc : memref<!tpu.dma_semaphore, #tpu.memory_space<semaphore_mem>>
        tpu.enqueue_dma source(%arg5 : memref<20000xi32, #tpu.memory_space<hbm>>) target(%arg21 : memref<20000xi32, #tpu.memory_space<vmem>>) target_semaphore(%run_scoped3A : memref<!tpu.dma_semaphore, #tpu.memory_space<semaphore_mem>>)
        tpu.wait_dma2 semaphore(%run_scoped3A : memref<!tpu.dma_semaphore, #tpu.memory_space<semaphore_mem>>) src(%arg5 : memref<20000xi32, #tpu.memory_space<hbm>>) dst(%arg21 : memref<20000xi32, #tpu.memory_space<vmem>>)
        tpu.yield
      }) : () -> ()
      %parallel_loop3A_61 = arith.constant 0 : i32
      %parallel_loop3A_62 = arith.constant 320 : i32
      %parallel_loop3A_63 = arith.constant 1 : i32
      scf.for %parallel_loop3A_79 = %parallel_loop3A_61 to %parallel_loop3A_62 step %parallel_loop3A_63  : i32 {
        %parallel_loop3A_80 = arith.constant 16 : i32
        %parallel_loop3A_81 = arith.muli %parallel_loop3A_79, %parallel_loop3A_80 : i32
        %parallel_loop3A_82 = arith.index_cast %parallel_loop3A_81 : i32 to index
        %parallel_loop3A_83 = tpu.vector_load %arg20[%parallel_loop3A_82] {strides = array<i32>} : memref<5120xi32, #tpu.memory_space<vmem>>, vector<16xi32>,
        %parallel_loop3A_84 = tpu.vector_load_idx %arg21[%parallel_loop3A_83] : memref<20000xi32, #tpu.memory_space<vmem>>[vector<16xi32>], vector<16xi32>,
        %parallel_loop3A_85 = arith.constant 16 : i32
        %parallel_loop3A_86 = arith.muli %parallel_loop3A_79, %parallel_loop3A_85 : i32
        %parallel_loop3A_87 = arith.index_cast %parallel_loop3A_86 : i32 to index
        %parallel_loop3A_88 = tpu.vector_load %arg22[%parallel_loop3A_87] {strides = array<i32>} : memref<5120xi32, #tpu.memory_space<vmem>>, vector<16xi32>,
        tpu.vector_store %arg22[%parallel_loop3A_87], %parallel_loop3A_84 {strides = array<i32>} : memref<5120xi32, #tpu.memory_space<vmem>>, vector<16xi32>,
      } {sc.loop_unroll_factor = 8 : i64, sc.parallel_access}
      "tpu.region"() ({
        %run_scoped3A = tpu.sem_alloc : memref<!tpu.dma_semaphore, #tpu.memory_space<semaphore_mem>>
        %dma_start3A = arith.constant 0 : i32
        %dma_start3A_79 = tpu.memref_slice %arg22[%dma_start3A] : memref<5120xi32, #tpu.memory_space<vmem>> -> memref<5000xi32, #tpu.memory_space<vmem>>
        %dma_start3A_80 = arith.constant 0 : i32
        %dma_start3A_81 = tpu.memref_slice %arg22[%dma_start3A_80] : memref<5120xi32, #tpu.memory_space<vmem>> -> memref<5000xi32, #tpu.memory_space<vmem>>
        tpu.enqueue_dma source(%dma_start3A_81 : memref<5000xi32, #tpu.memory_space<vmem>>) target(%arg11 : memref<5000xi32, #tpu.memory_space<hbm>>) target_semaphore(%run_scoped3A : memref<!tpu.dma_semaphore, #tpu.memory_space<semaphore_mem>>)
        %dma_wait3A = arith.constant 0 : i32
        %dma_wait3A_82 = tpu.memref_slice %arg22[%dma_wait3A] : memref<5120xi32, #tpu.memory_space<vmem>> -> memref<5000xi32, #tpu.memory_space<vmem>>
        %dma_wait3A_83 = arith.constant 0 : i32
        %dma_wait3A_84 = tpu.memref_slice %arg22[%dma_wait3A_83] : memref<5120xi32, #tpu.memory_space<vmem>> -> memref<5000xi32, #tpu.memory_space<vmem>>
        tpu.wait_dma2 semaphore(%run_scoped3A : memref<!tpu.dma_semaphore, #tpu.memory_space<semaphore_mem>>) src(%dma_wait3A_84 : memref<5000xi32, #tpu.memory_space<vmem>>) dst(%arg11 : memref<5000xi32, #tpu.memory_space<hbm>>)
        tpu.yield
      }) : () -> ()
      "tpu.region"() ({
        %run_scoped3A = tpu.sem_alloc : memref<!tpu.dma_semaphore, #tpu.memory_space<semaphore_mem>>
        tpu.enqueue_dma source(%arg6 : memref<20000xi32, #tpu.memory_space<hbm>>) target(%arg21 : memref<20000xi32, #tpu.memory_space<vmem>>) target_semaphore(%run_scoped3A : memref<!tpu.dma_semaphore, #tpu.memory_space<semaphore_mem>>)
        tpu.wait_dma2 semaphore(%run_scoped3A : memref<!tpu.dma_semaphore, #tpu.memory_space<semaphore_mem>>) src(%arg6 : memref<20000xi32, #tpu.memory_space<hbm>>) dst(%arg21 : memref<20000xi32, #tpu.memory_space<vmem>>)
        tpu.yield
      }) : () -> ()
      %parallel_loop3A_64 = arith.constant 0 : i32
      %parallel_loop3A_65 = arith.constant 320 : i32
      %parallel_loop3A_66 = arith.constant 1 : i32
      scf.for %parallel_loop3A_79 = %parallel_loop3A_64 to %parallel_loop3A_65 step %parallel_loop3A_66  : i32 {
        %parallel_loop3A_80 = arith.constant 16 : i32
        %parallel_loop3A_81 = arith.muli %parallel_loop3A_79, %parallel_loop3A_80 : i32
        %parallel_loop3A_82 = arith.index_cast %parallel_loop3A_81 : i32 to index
        %parallel_loop3A_83 = tpu.vector_load %arg20[%parallel_loop3A_82] {strides = array<i32>} : memref<5120xi32, #tpu.memory_space<vmem>>, vector<16xi32>,
        %parallel_loop3A_84 = tpu.vector_load_idx %arg21[%parallel_loop3A_83] : memref<20000xi32, #tpu.memory_space<vmem>>[vector<16xi32>], vector<16xi32>,
        %parallel_loop3A_85 = arith.constant 16 : i32
        %parallel_loop3A_86 = arith.muli %parallel_loop3A_79, %parallel_loop3A_85 : i32
        %parallel_loop3A_87 = arith.index_cast %parallel_loop3A_86 : i32 to index
        %parallel_loop3A_88 = tpu.vector_load %arg22[%parallel_loop3A_87] {strides = array<i32>} : memref<5120xi32, #tpu.memory_space<vmem>>, vector<16xi32>,
        tpu.vector_store %arg22[%parallel_loop3A_87], %parallel_loop3A_84 {strides = array<i32>} : memref<5120xi32, #tpu.memory_space<vmem>>, vector<16xi32>,
      } {sc.loop_unroll_factor = 8 : i64, sc.parallel_access}
      "tpu.region"() ({
        %run_scoped3A = tpu.sem_alloc : memref<!tpu.dma_semaphore, #tpu.memory_space<semaphore_mem>>
        %dma_start3A = arith.constant 0 : i32
        %dma_start3A_79 = tpu.memref_slice %arg22[%dma_start3A] : memref<5120xi32, #tpu.memory_space<vmem>> -> memref<5000xi32, #tpu.memory_space<vmem>>
        %dma_start3A_80 = arith.constant 0 : i32
        %dma_start3A_81 = tpu.memref_slice %arg22[%dma_start3A_80] : memref<5120xi32, #tpu.memory_space<vmem>> -> memref<5000xi32, #tpu.memory_space<vmem>>
        tpu.enqueue_dma source(%dma_start3A_81 : memref<5000xi32, #tpu.memory_space<vmem>>) target(%arg12 : memref<5000xi32, #tpu.memory_space<hbm>>) target_semaphore(%run_scoped3A : memref<!tpu.dma_semaphore, #tpu.memory_space<semaphore_mem>>)
        %dma_wait3A = arith.constant 0 : i32
        %dma_wait3A_82 = tpu.memref_slice %arg22[%dma_wait3A] : memref<5120xi32, #tpu.memory_space<vmem>> -> memref<5000xi32, #tpu.memory_space<vmem>>
        %dma_wait3A_83 = arith.constant 0 : i32
        %dma_wait3A_84 = tpu.memref_slice %arg22[%dma_wait3A_83] : memref<5120xi32, #tpu.memory_space<vmem>> -> memref<5000xi32, #tpu.memory_space<vmem>>
        tpu.wait_dma2 semaphore(%run_scoped3A : memref<!tpu.dma_semaphore, #tpu.memory_space<semaphore_mem>>) src(%dma_wait3A_84 : memref<5000xi32, #tpu.memory_space<vmem>>) dst(%arg12 : memref<5000xi32, #tpu.memory_space<hbm>>)
        tpu.yield
      }) : () -> ()
      "tpu.region"() ({
        %run_scoped3A = tpu.sem_alloc : memref<!tpu.dma_semaphore, #tpu.memory_space<semaphore_mem>>
        tpu.enqueue_dma source(%arg7 : memref<20000xi32, #tpu.memory_space<hbm>>) target(%arg21 : memref<20000xi32, #tpu.memory_space<vmem>>) target_semaphore(%run_scoped3A : memref<!tpu.dma_semaphore, #tpu.memory_space<semaphore_mem>>)
        tpu.wait_dma2 semaphore(%run_scoped3A : memref<!tpu.dma_semaphore, #tpu.memory_space<semaphore_mem>>) src(%arg7 : memref<20000xi32, #tpu.memory_space<hbm>>) dst(%arg21 : memref<20000xi32, #tpu.memory_space<vmem>>)
        tpu.yield
      }) : () -> ()
      %parallel_loop3A_67 = arith.constant 0 : i32
      %parallel_loop3A_68 = arith.constant 320 : i32
      %parallel_loop3A_69 = arith.constant 1 : i32
      scf.for %parallel_loop3A_79 = %parallel_loop3A_67 to %parallel_loop3A_68 step %parallel_loop3A_69  : i32 {
        %parallel_loop3A_80 = arith.constant 16 : i32
        %parallel_loop3A_81 = arith.muli %parallel_loop3A_79, %parallel_loop3A_80 : i32
        %parallel_loop3A_82 = arith.index_cast %parallel_loop3A_81 : i32 to index
        %parallel_loop3A_83 = tpu.vector_load %arg20[%parallel_loop3A_82] {strides = array<i32>} : memref<5120xi32, #tpu.memory_space<vmem>>, vector<16xi32>,
        %parallel_loop3A_84 = tpu.vector_load_idx %arg21[%parallel_loop3A_83] : memref<20000xi32, #tpu.memory_space<vmem>>[vector<16xi32>], vector<16xi32>,
        %parallel_loop3A_85 = arith.constant 16 : i32
        %parallel_loop3A_86 = arith.muli %parallel_loop3A_79, %parallel_loop3A_85 : i32
        %parallel_loop3A_87 = arith.index_cast %parallel_loop3A_86 : i32 to index
        %parallel_loop3A_88 = tpu.vector_load %arg22[%parallel_loop3A_87] {strides = array<i32>} : memref<5120xi32, #tpu.memory_space<vmem>>, vector<16xi32>,
        tpu.vector_store %arg22[%parallel_loop3A_87], %parallel_loop3A_84 {strides = array<i32>} : memref<5120xi32, #tpu.memory_space<vmem>>, vector<16xi32>,
      } {sc.loop_unroll_factor = 8 : i64, sc.parallel_access}
      "tpu.region"() ({
        %run_scoped3A = tpu.sem_alloc : memref<!tpu.dma_semaphore, #tpu.memory_space<semaphore_mem>>
        %dma_start3A = arith.constant 0 : i32
        %dma_start3A_79 = tpu.memref_slice %arg22[%dma_start3A] : memref<5120xi32, #tpu.memory_space<vmem>> -> memref<5000xi32, #tpu.memory_space<vmem>>
        %dma_start3A_80 = arith.constant 0 : i32
        %dma_start3A_81 = tpu.memref_slice %arg22[%dma_start3A_80] : memref<5120xi32, #tpu.memory_space<vmem>> -> memref<5000xi32, #tpu.memory_space<vmem>>
        tpu.enqueue_dma source(%dma_start3A_81 : memref<5000xi32, #tpu.memory_space<vmem>>) target(%arg13 : memref<5000xi32, #tpu.memory_space<hbm>>) target_semaphore(%run_scoped3A : memref<!tpu.dma_semaphore, #tpu.memory_space<semaphore_mem>>)
        %dma_wait3A = arith.constant 0 : i32
        %dma_wait3A_82 = tpu.memref_slice %arg22[%dma_wait3A] : memref<5120xi32, #tpu.memory_space<vmem>> -> memref<5000xi32, #tpu.memory_space<vmem>>
        %dma_wait3A_83 = arith.constant 0 : i32
        %dma_wait3A_84 = tpu.memref_slice %arg22[%dma_wait3A_83] : memref<5120xi32, #tpu.memory_space<vmem>> -> memref<5000xi32, #tpu.memory_space<vmem>>
        tpu.wait_dma2 semaphore(%run_scoped3A : memref<!tpu.dma_semaphore, #tpu.memory_space<semaphore_mem>>) src(%dma_wait3A_84 : memref<5000xi32, #tpu.memory_space<vmem>>) dst(%arg13 : memref<5000xi32, #tpu.memory_space<hbm>>)
        tpu.yield
      }) : () -> ()
      "tpu.region"() ({
        %run_scoped3A = tpu.sem_alloc : memref<!tpu.dma_semaphore, #tpu.memory_space<semaphore_mem>>
        tpu.enqueue_dma source(%arg8 : memref<20000xi32, #tpu.memory_space<hbm>>) target(%arg21 : memref<20000xi32, #tpu.memory_space<vmem>>) target_semaphore(%run_scoped3A : memref<!tpu.dma_semaphore, #tpu.memory_space<semaphore_mem>>)
        tpu.wait_dma2 semaphore(%run_scoped3A : memref<!tpu.dma_semaphore, #tpu.memory_space<semaphore_mem>>) src(%arg8 : memref<20000xi32, #tpu.memory_space<hbm>>) dst(%arg21 : memref<20000xi32, #tpu.memory_space<vmem>>)
        tpu.yield
      }) : () -> ()
      %parallel_loop3A_70 = arith.constant 0 : i32
      %parallel_loop3A_71 = arith.constant 320 : i32
      %parallel_loop3A_72 = arith.constant 1 : i32
      scf.for %parallel_loop3A_79 = %parallel_loop3A_70 to %parallel_loop3A_71 step %parallel_loop3A_72  : i32 {
        %parallel_loop3A_80 = arith.constant 16 : i32
        %parallel_loop3A_81 = arith.muli %parallel_loop3A_79, %parallel_loop3A_80 : i32
        %parallel_loop3A_82 = arith.index_cast %parallel_loop3A_81 : i32 to index
        %parallel_loop3A_83 = tpu.vector_load %arg20[%parallel_loop3A_82] {strides = array<i32>} : memref<5120xi32, #tpu.memory_space<vmem>>, vector<16xi32>,
        %parallel_loop3A_84 = tpu.vector_load_idx %arg21[%parallel_loop3A_83] : memref<20000xi32, #tpu.memory_space<vmem>>[vector<16xi32>], vector<16xi32>,
        %parallel_loop3A_85 = arith.constant 16 : i32
        %parallel_loop3A_86 = arith.muli %parallel_loop3A_79, %parallel_loop3A_85 : i32
        %parallel_loop3A_87 = arith.index_cast %parallel_loop3A_86 : i32 to index
        %parallel_loop3A_88 = tpu.vector_load %arg22[%parallel_loop3A_87] {strides = array<i32>} : memref<5120xi32, #tpu.memory_space<vmem>>, vector<16xi32>,
        tpu.vector_store %arg22[%parallel_loop3A_87], %parallel_loop3A_84 {strides = array<i32>} : memref<5120xi32, #tpu.memory_space<vmem>>, vector<16xi32>,
      } {sc.loop_unroll_factor = 8 : i64, sc.parallel_access}
      "tpu.region"() ({
        %run_scoped3A = tpu.sem_alloc : memref<!tpu.dma_semaphore, #tpu.memory_space<semaphore_mem>>
        %dma_start3A = arith.constant 0 : i32
        %dma_start3A_79 = tpu.memref_slice %arg22[%dma_start3A] : memref<5120xi32, #tpu.memory_space<vmem>> -> memref<5000xi32, #tpu.memory_space<vmem>>
        %dma_start3A_80 = arith.constant 0 : i32
        %dma_start3A_81 = tpu.memref_slice %arg22[%dma_start3A_80] : memref<5120xi32, #tpu.memory_space<vmem>> -> memref<5000xi32, #tpu.memory_space<vmem>>
        tpu.enqueue_dma source(%dma_start3A_81 : memref<5000xi32, #tpu.memory_space<vmem>>) target(%arg14 : memref<5000xi32, #tpu.memory_space<hbm>>) target_semaphore(%run_scoped3A : memref<!tpu.dma_semaphore, #tpu.memory_space<semaphore_mem>>)
        %dma_wait3A = arith.constant 0 : i32
        %dma_wait3A_82 = tpu.memref_slice %arg22[%dma_wait3A] : memref<5120xi32, #tpu.memory_space<vmem>> -> memref<5000xi32, #tpu.memory_space<vmem>>
        %dma_wait3A_83 = arith.constant 0 : i32
        %dma_wait3A_84 = tpu.memref_slice %arg22[%dma_wait3A_83] : memref<5120xi32, #tpu.memory_space<vmem>> -> memref<5000xi32, #tpu.memory_space<vmem>>
        tpu.wait_dma2 semaphore(%run_scoped3A : memref<!tpu.dma_semaphore, #tpu.memory_space<semaphore_mem>>) src(%dma_wait3A_84 : memref<5000xi32, #tpu.memory_space<vmem>>) dst(%arg14 : memref<5000xi32, #tpu.memory_space<hbm>>)
        tpu.yield
      }) : () -> ()
      %parallel_loop3A_73 = arith.constant 0 : i32
      %parallel_loop3A_74 = arith.constant 5 : i32
      %parallel_loop3A_75 = arith.constant 1 : i32
      scf.for %parallel_loop3A_79 = %parallel_loop3A_73 to %parallel_loop3A_74 step %parallel_loop3A_75  : i32 {
        %parallel_loop3A_80 = arith.constant 16 : i32
        %parallel_loop3A_81 = arith.muli %parallel_loop3A_79, %parallel_loop3A_80 : i32
        %parallel_loop3A_82 = arith.index_cast %parallel_loop3A_81 : i32 to index
        %parallel_loop3A_83 = tpu.vector_load %arg23[%parallel_loop3A_82] {strides = array<i32>} : memref<80xi32, #tpu.memory_space<vmem>>, vector<16xi32>,
        tpu.vector_store %arg23[%parallel_loop3A_82], %broadcast_in_dim3A_4 {strides = array<i32>} : memref<80xi32, #tpu.memory_space<vmem>>, vector<16xi32>,
      } {sc.loop_unroll_factor = 5 : i64, sc.parallel_access}
      %parallel_loop3A_76 = arith.constant 0 : i32
      %parallel_loop3A_77 = arith.constant 320 : i32
      %parallel_loop3A_78 = arith.constant 1 : i32
      scf.for %parallel_loop3A_79 = %parallel_loop3A_76 to %parallel_loop3A_77 step %parallel_loop3A_78  : i32 {
        %parallel_loop3A_80 = arith.constant 16 : i32
        %parallel_loop3A_81 = arith.muli %parallel_loop3A_79, %parallel_loop3A_80 : i32
        %parallel_loop3A_82 = arith.index_cast %parallel_loop3A_81 : i32 to index
        %parallel_loop3A_83 = tpu.vector_load %arg22[%parallel_loop3A_82] {strides = array<i32>} : memref<5120xi32, #tpu.memory_space<vmem>>, vector<16xi32>,
        %parallel_loop3A_84 = arith.constant 16 : i32
        %parallel_loop3A_85 = arith.muli %parallel_loop3A_79, %parallel_loop3A_84 : i32
        %parallel_loop3A_86 = vector.broadcast %parallel_loop3A_85 : i32 to vector<16xi32>
        %parallel_loop3A_87 = arith.addi %iota3A, %parallel_loop3A_86 : vector<16xi32>
        %parallel_loop3A_88 = arith.constant 5000 : i32
        %parallel_loop3A_89 = vector.broadcast %parallel_loop3A_88 : i32 to vector<16xi32>
        %parallel_loop3A_90 = arith.cmpi slt, %parallel_loop3A_87, %parallel_loop3A_89 : vector<16xi32>
        %parallel_loop3A_91, %parallel_loop3A_92 = tpu.scan_count mask(%parallel_loop3A_90 : vector<16xi1>) value(%parallel_loop3A_83 : vector<16xi32>) : vector<16xi1>, vector<16xi32>
        tpu.vector_store_idx %arg23[%parallel_loop3A_83], %parallel_loop3A_92 masked %parallel_loop3A_91 {add = true} : memref<80xi32, #tpu.memory_space<vmem>>[vector<16xi32>], vector<16xi32>, vector<16xi1>
      } {sc.loop_unroll_factor = 8 : i64, sc.parallel_access}
      "tpu.region"() ({
        %run_scoped3A = tpu.sem_alloc : memref<!tpu.dma_semaphore, #tpu.memory_space<semaphore_mem>>
        tpu.enqueue_dma source(%arg23 : memref<80xi32, #tpu.memory_space<vmem>>) target(%arg15 : memref<80xi32, #tpu.memory_space<hbm>>) target_semaphore(%run_scoped3A : memref<!tpu.dma_semaphore, #tpu.memory_space<semaphore_mem>>)
        tpu.wait_dma2 semaphore(%run_scoped3A : memref<!tpu.dma_semaphore, #tpu.memory_space<semaphore_mem>>) src(%arg23 : memref<80xi32, #tpu.memory_space<vmem>>) dst(%arg15 : memref<80xi32, #tpu.memory_space<hbm>>)
        tpu.yield
      }) : () -> ()
    } else {
    }
    return
  }
}

</mosaic_0001>

<sc_bundles>
// kernel: _sc_topk.3.cloned.1.call-start
scs
__scs_entry_jumppad:
0x0: {  	(pc) =	sbr.rel $0x88, $3  }
0x1: {  	(tag) =	ssettag $0x0;
	lr =	simm.s32 $0x1  }
0x2: {  	[smem:$0x3F9A] =	sst lr;
	_ =	strace $0xD0000000  }
0x3: {  	_ = 	snop  }
0x4: {  	_ = 	snop  }
0x5: {  	_ = 	snop  }
0x6: {  	_ = 	snop  }
0x7: {  	_ = 	snop  }
__scs_overlays_trampoline_lowered:
0x8: {  	[smem:$0x3FA9] =	sst s0  }
0x9: {  	[smem:$0x3FAA] =	sst s1  }
0xa: {  	[smem:$0x3FAB] =	sst s2  }
0xb: {  	[smem:$0x3FAC] =	sst s3  }
0xc: {  	[smem:$0x3FAD] =	sst s4  }
0xd: {  	[smem:$0x3FAE] =	sst s5  }
0xe: {  	[smem:$0x3FAF] =	sst s6  }
0xf: {  	[smem:$0x3FB0] =	sst s7  }
0x10: {  	[smem:$0x3FB1] =	sst s8  }
0x11: {  	[smem:$0x3FB2] =	sst s9;
	s0 =	simm.s32 @!p0 $0x0  }
0x12: {  	s1 =	sld [smem:$0x3F98];
	s0 =	simm.s32 @p0 $0x1  }
0x13: {  	[smem:$0x3FB3] =	sst s0;
	s0 =	simm.s32 @!p1 $0x0  }
0x14: {  	s2 =	sld [smem:$0x3F97];
	s0 =	simm.s32 @p1 $0x1  }
0x15: {  	[smem:$0x3FB4] =	sst s0;
	s0 =	simm.s32 @!p2 $0x0  }
0x16: {  	s3 =	sld [smem:$0x3FDB];
	s0 =	simm.s32 @p2 $0x1  }
0x17: {  	s4 =	simm.s32 $0x1BF5;
	[smem:$0x3FB6] =	sst s0  }
0x18: {  	s0 =	sld [smem:$0x3F99];
	_ =	swait.ge [sflag:s4], $0x0  }
0x19: {  	s7 =	sld [smem:$0x3F9A]  }
0x1a: {  	s8 =	sadd.s32 $0xFFFFE003, lr  }
0x1b: {  	s9 =	sadd.s32 $0xFFFFFEF7, lr;
	s5 =	simm.s32 $0xFFFFFFFF;
	p2 =	slt.u32 s8, $0xFFFFF086  }
0x1c: {  	p1 =	slt.u32 s9, $0xF7A;
	s5 =	simm.s32 @!p2 $0x0  }
0x1d: {  	s5 =	simm.s32 @p1 $0x1;
	p0 =	seq.s32 s7, s2  }
0x1e: {  	s7 =	smul.u32 @!p0 $0xF7A, s2;
	p2 =	seq.s32 @!p0 s5, $0x0  }
0x1f: {  	s9 =	smul.u32 $0xF7A, s1;
	s8 =	simm.s32 @!p0 $0x1BF5;
	p2 =	por !p2, p0  }
0x20: {  	[sflag:s8] =	ssyncset.s32 @!p0 $0xFFFFF086;
	s6 =	sadd.s32 @!p0 s3, s7;
	s7 =	simm.s32 @!p0 $0x108  }
0x21: {  	s3 =	sadd.s32 s3, s9;
	s6 =	sadd.s32 @!p0 $0x88, s6;
	s7 =	simm.s32 @p2 $0x1082  }
0x22: {  	[simem:s7], [sflag:s8] =	dma.local @!p0 [hbm:s6], $0xF7A  }
0x23: {  	s9 =	sor.u32 $0xD0000000, s2;
	s6 =	simm.s32 $0x108;
	_ =	swait.ge @!p0 [sflag:s8], $0x0  }
0x24: {  	s3 =	sadd.s32 $0x88, s3;
	s6 =	simm.s32 @!p1 $0x1082;
	[sflag:s4] =	ssyncset.s32 $0xFFFFF086  }
0x25: {  	[simem:s6], [sflag:s4] =	dma.local [hbm:s3], $0xF7A  }
0x26: {  	[smem:$0x3F9A] =	sst s1;
	(tag) =	ssettag s2;
	_ =	strace s9  }
0x27: {  	s1 =	sld [smem:$0x3FAA]  }
0x28: {  	s2 =	sld [smem:$0x3FAB]  }
0x29: {  	s4 =	sld [smem:$0x3FAD]  }
0x2a: {  	p0 =	seq.s32 s5, $0x0;
	s5 =	sld [smem:$0x3FAE]  }
0x2b: {  	s6 =	sld [smem:$0x3FAF]  }
0x2c: {  	s7 =	sld [smem:$0x3FB0]  }
0x2d: {  	s3 =	simm.s32 $0x108;
	s8 =	sld [smem:$0x3FB1]  }
0x2e: {  	s3 =	simm.s32 @!p0 $0x1082;
	s9 =	sld [smem:$0x3FB2]  }
0x2f: {  	lr =	sadd.s32 s0, s3;
	s0 =	sld [smem:$0x3FA9]  }
0x30: {  	s3 =	sld [smem:$0x3FAC]  }
0x31: {  	[smem:$0x3FB5] =	sst s10  }
0x32: {  	s10 =	sld [smem:$0x3FB3];
	_ =	sdelay $0x3  }
0x33: {  	p0 =	seq.s32 s10, $0x1;
	s10 =	sld [smem:$0x3FB5];
	_ =	sdelay $0x3  }
0x34: {  	[smem:$0x3FB5] =	sst s10  }
0x35: {  	s10 =	sld [smem:$0x3FB4];
	_ =	sdelay $0x3  }
0x36: {  	p1 =	seq.s32 s10, $0x1;
	s10 =	sld [smem:$0x3FB5];
	_ =	sdelay $0x3  }
0x37: {  	[smem:$0x3FB5] =	sst s10  }
0x38: {  	s10 =	sld [smem:$0x3FB6]  }
0x39: {  	_ = 	snop;
	(pc) =	sbr.ind lr, $3  }
0x3a: {  	_ = 	snop  }
0x3b: {  	_ = 	snop  }
0x3c: {  	p2 =	seq.s32 s10, $0x1;
	s10 =	sld [smem:$0x3FB5]  }
0x3d: {  	_ =	shalt  }
0x3e: {  	_ =	shalt  }
0x3f: {  	_ =	shalt  }
0x40: {  	_ =	shalt  }
0x41: {  	_ =	shalt  }
0x42: {  	_ =	shalt  }
0x43: {  	_ =	shalt  }
0x44: {  	_ =	shalt  }
0x45: {  	_ =	shalt  }
0x46: {  	_ =	shalt  }
0x47: {  	_ =	shalt  }
0x48: {  	_ =	shalt  }
0x49: {  	_ =	shalt  }
0x4a: {  	_ =	shalt  }
0x4b: {  	_ =	shalt  }
0x4c: {  	_ =	shalt  }
0x4d: {  	_ =	shalt  }
0x4e: {  	_ =	shalt  }
0x4f: {  	_ =	shalt  }
0x50: {  	_ =	shalt  }
0x51: {  	_ =	shalt  }
0x52: {  	_ =	shalt  }
0x53: {  	_ =	shalt  }
0x54: {  	_ =	shalt  }
0x55: {  	_ =	shalt  }
0x56: {  	_ =	shalt  }
0x57: {  	_ =	shalt  }
0x58: {  	_ =	shalt  }
0x59: {  	_ =	shalt  }
0x5a: {  	_ =	shalt  }
0x5b: {  	_ =	shalt  }
0x5c: {  	_ =	shalt  }
0x5d: {  	_ =	shalt  }
0x5e: {  	_ =	shalt  }
0x5f: {  	_ =	shalt  }
0x60: {  	_ =	shalt  }
0x61: {  	_ =	shalt  }
0x62: {  	_ =	shalt  }
0x63: {  	_ =	shalt  }
0x64: {  	_ =	shalt  }
0x65: {  	_ =	shalt  }
0x66: {  	_ =	shalt  }
0x67: {  	_ =	shalt  }
0x68: {  	_ =	shalt  }
0x69: {  	_ =	shalt  }
0x6a: {  	_ =	shalt  }
0x6b: {  	_ =	shalt  }
0x6c: {  	_ =	shalt  }
0x6d: {  	_ =	shalt  }
0x6e: {  	_ =	shalt  }
0x6f: {  	_ =	shalt  }
0x70: {  	_ =	shalt  }
0x71: {  	_ =	shalt  }
0x72: {  	_ =	shalt  }
0x73: {  	_ =	shalt  }
0x74: {  	_ =	shalt  }
0x75: {  	_ =	shalt  }
0x76: {  	_ =	shalt  }
0x77: {  	_ =	shalt  }
0x78: {  	_ =	shalt  }
0x79: {  	_ =	shalt  }
0x7a: {  	_ =	shalt  }
0x7b: {  	_ =	shalt  }
0x7c: {  	_ =	shalt  }
0x7d: {  	_ =	shalt  }
0x7e: {  	_ =	shalt  }
0x7f: {  	_ =	shalt  }
0x80: {  	_ =	shalt  }
0x81: {  	_ =	shalt  }
0x82: {  	_ =	shalt  }
0x83: {  	_ =	shalt  }
0x84: {  	_ =	shalt  }
0x85: {  	_ =	shalt  }
0x86: {  	_ =	shalt  }
0x87: {  	_ =	shalt  }
.Lfunc_end0:
.L_simem_size_0:
called_computation_lowered:
.L_overlay_start_0:
0x88: {  	s2 =	sld [smem:$0x3FD9]  }
0x89: {  	s3 =	sld [smem:$0x3FFE];
	_ =	sdelay $0x1  }
0x8a: {  	s1 =	srdreg.scid  }
0x8b: {  	s0 =	sand.u32 $0x1, s1  }
0x8c: {  	s25 =	sshll.u32 s0, $0xA;
	s2 =	sadd.s32 s3, s2  }
0x8d: {  	s2 =	sadd.s32 s2, s25  }
0x8e: {  	[smem:$0x3FC1] =	sst s2  }
0x8f: {  	_ = 	snop  }
0x90: {  	s2 =	sld [smem:$0x3FC9]  }
0x91: {  	s3 =	sld [smem:$0x3FC8]  }
0x92: {  	s4 =	sld [smem:$0x3FC7]  }
0x93: {  	s5 =	sld [smem:$0x3FC6]  }
0x94: {  	s9 =	sld [smem:$0x3FD0]  }
0x95: {  	s6 =	sld [smem:$0x3FC5]  }
0x96: {  	s7 =	sld [smem:$0x3FC4]  }
0x97: {  	s15 =	simm.s32 $0xA;
	s10 =	simm.s32 $0x10;
	s8 =	sld [smem:$0x3FC3]  }
0x98: {  	[smem:s10], [sflag:s15] =	dma.local [hbm:s9], $0x1  }
0x99: {  	_ =	swait.eq [sflag:s15], $0x1  }
0x9a: {  	s9 =	sld [smem:$0x10]  }
0x9b: {  	s10 =	sld [smem:$0x11]  }
0x9c: {  	s11 =	sld [smem:$0x12]  }
0x9d: {  	s12 =	sld [smem:$0x13]  }
0x9e: {  	s13 =	sld [smem:$0x14];
	[sflag:s15] =	ssyncset.done $0x0  }
0x9f: {  	s14 =	sld [smem:$0x15];
	[sflag:s15] =	ssyncadd.s32 $0xFFFFFFFF  }
0xa0: {  	s15 =	sld [smem:$0x16];
	(tm) =	ssettm $0x1  }
0xa1: {  	s16 =	sld [smem:$0x3FFB];
	_ =	sdelay $0x3  }
0xa2: {  	_ =	strace s16  }
0xa3: {  	s16 =	sld [smem:$0x3FFC];
	_ =	sdelay $0x3  }
0xa4: {  	_ =	strace s16  }
0xa5: {  	s16 =	sld [smem:$0x3FFD];
	_ =	sdelay $0x3  }
0xa6: {  	_ =	strace s16  }
0xa7: {  	_ =	strace $0x8FFFFFFF  }
0xa8: {  	s26 =	sld [smem:$0x3FDB];
	_ =	sdelay $0x1  }
0xa9: {  	s17 =	simm.s32 $_scs_section_size  }
0xaa: {  	s18 =	simm.s32 $_size__tile_task_arg_handler_lowered;
	s19 =	simm.s32 $_tile_task_arg_handler_lowered  }
0xab: {  	s30 =	simm.s32 $0x1BFF;
	s29 =	sshll.u32 s19, $0x1;
	s17 =	sadd.s32 s17, s26  }
0xac: {  	s20 =	simm.s32 $0x60;
	s28 =	sshll.u32 s18, $0x1;
	s18 =	sadd.s32 s29, s17  }
0xad: {  	[timem:s20], [sflag:s30] =	dma.local [hbm:s18], s28  }
0xae: {  	_ =	swait.ge [sflag:s30], s28  }
0xaf: {  	s31 =	simm.s32 $_tile_overlayer_lowered;
	s16 =	ssub.s32 $0x0, s28;
	[sflag:s30] =	ssyncset.done $0x0  }
0xb0: {  	s20 =	simm.s32 $_size__tile_overlayer_lowered;
	s18 =	sshll.u32 s31, $0x1;
	[sflag:s30] =	ssyncadd.s32 s16  }
0xb1: {  	s22 =	simm.s32 $0x0;
	s21 =	sshll.u32 s20, $0x1;
	s18 =	sadd.s32 s18, s17  }
0xb2: {  	[timem:s22], [sflag:s30] =	dma.local [hbm:s18], s21  }
0xb3: {  	_ =	swait.ge [sflag:s30], s21  }
0xb4: {  	s23 =	ssub.s32 $0x0, s21;
	[sflag:s30] =	ssyncset.done $0x0  }
0xb5: {  	[sflag:s30] =	ssyncadd.s32 s23;
	_ =	sdelay $0x1  }
0xb6: {  	s24 =	simm.s32 $0x1B8B  }
0xb7: {  	_ =	swait.ge [sflag:s24], $0x1  }
0xb8: {  	[sflag:s24] =	ssyncset.done $0x0  }
0xb9: {  	s25 =	simm.s32 $0x1B8E;
	[sflag:s24] =	ssyncadd.s32 $0xFFFFFFFF  }
0xba: {  	s26 =	simm.s32 $execute0_lowered;
	[smem:$0x3FD2] =	sst s25  }
0xbb: {  	s18 =	sshll.u32 s26, $0x1;
	_ =	strace $0x80000046;
	[dreg:$0x1] =	wrdreg $0xFFFFFFFF  }
0xbc: {  	s28 =	simm.s32 $_size_execute0_lowered;
	s17 =	sadd.s32 s17, s18;
	[dreg:$0x0] =	wrdreg $0x0  }
0xbd: {  	s18 =	sshll.u32 s28, $0x1;
	[dreg:$0x2] =	wrdreg s17  }
0xbe: {  	[dreg:$0x3] =	wrdreg s18  }
0xbf: {  	[dreg:$0x4] =	wrdreg $0xC0  }
0xc0: {  	_ =	task [dreg:s22], $0x5FFFF  }
0xc1: {  	[dreg:$0x1] =	wrdreg $0xFFFFFFFF  }
0xc2: {  	[dreg:$0x0] =	wrdreg $0x30  }
0xc3: {  	[dreg:$0x2] =	wrdreg $0x0  }
0xc4: {  	[dreg:$0x3] =	wrdreg $0x9  }
0xc5: {  	_ =	task [dreg:s22], $0x4FFFF  }
0xc6: {  	[dreg:$0x1] =	wrdreg $0xFFFFFFFF  }
0xc7: {  	[dreg:$0x0] =	wrdreg $0x60  }
0xc8: {  	[dreg:$0x2] =	wrdreg s2  }
0xc9: {  	[dreg:$0x3] =	wrdreg s3  }
0xca: {  	[dreg:$0x4] =	wrdreg s4  }
0xcb: {  	[dreg:$0x5] =	wrdreg s5  }
0xcc: {  	[dreg:$0x6] =	wrdreg s6  }
0xcd: {  	[dreg:$0x7] =	wrdreg s7  }
0xce: {  	[dreg:$0x8] =	wrdreg s8  }
0xcf: {  	[dreg:$0x9] =	wrdreg s9  }
0xd0: {  	[dreg:$0xa] =	wrdreg s10  }
0xd1: {  	[dreg:$0xb] =	wrdreg s11  }
0xd2: {  	[dreg:$0xc] =	wrdreg s12  }
0xd3: {  	[dreg:$0xd] =	wrdreg s13  }
0xd4: {  	[dreg:$0xe] =	wrdreg s14  }
0xd5: {  	[dreg:$0xf] =	wrdreg s15  }
0xd6: {  	_ =	task.clear_ibuf [dreg:s22], $0x10FFFF;
	_ =	strace $0x90000046  }
0xd7: {  	s29 =	simm.s32 $0x9;
	_ =	strace $0x80000048  }
0xd8: {  	_ =	swait.ge [sflag:s29], $0x1  }
0xd9: {  	[sflag:s29] =	ssyncadd.s32 $0xFFFFFFFF  }
0xda: {  	_ =	strace $0x90000048  }
0xdb: {  	_ =	sfence  }
0xdc: {  	s30 =	sld [smem:$0x0];
	_ =	sdelay $0x2  }
0xdd: {  	s31 =	sshll.u32 s1, $0xD;
	s1 =	sshrl.u32 s1, $0x2  }
0xde: {  	s3 =	sand.u32 $0x4000, s31;
	s1 =	sadd.s32 s1, s30  }
0xdf: {  	s0 =	sor.u32 s3, s0;
	s1 =	sshll.u32 s1, $0x11  }
0xe0: {  	s0 =	sor.u32 s1, s0  }
0xe1: {  	s0 =	sadd.s32 $0x8F2B, s0  }
0xe2: {  	[sflag:s0] =	ssyncadd.remote.s32 $0x1  }
0xe3: {  	_ =	sfence.sel $0xFFFF  }
0xe4: {  	[dreg:$0x0] =	wrdreg $0xFFFFFFFF;
	(pc) =	sbr.abs _section_cstart, $3  }
0xe5: {  	[dreg:$0x1] =	wrdreg $0xFFFFFFFF  }
0xe6: {  	_ =	task.clear_ibuf [dreg:s22], $0x2FFFF;
	_ =	strace $0x9FFFFFFF  }
0xe7: {  	(tm) =	ssettm $0x7FFFFFFF  }
tec
_tile_task_arg_handler_lowered:
.L_overlay_start_1:
0x0: {  	(tag) =	ssettag $0x1  }
0x1: {  	s0 =	rddreg [dreg:$0x0]  }
0x2: {  	s1 =	rddreg [dreg:$0x1]  }
0x3: {  	s2 =	rddreg [dreg:$0x2]  }
0x4: {  	s3 =	rddreg [dreg:$0x3]  }
0x5: {  	s4 =	rddreg [dreg:$0x4]  }
0x6: {  	s5 =	rddreg [dreg:$0x5]  }
0x7: {  	s6 =	rddreg [dreg:$0x6]  }
0x8: {  	s7 =	rddreg [dreg:$0x7]  }
0x9: {  	s8 =	rddreg [dreg:$0x8]  }
0xa: {  	s9 =	rddreg [dreg:$0x9]  }
0xb: {  	s10 =	rddreg [dreg:$0xa]  }
0xc: {  	s11 =	rddreg [dreg:$0xb]  }
0xd: {  	s12 =	rddreg [dreg:$0xc]  }
0xe: {  	s13 =	rddreg [dreg:$0xd]  }
0xf: {  	[smem:s0] =	sst s1  }
0x10: {  	[smem:s0+$0x1] =	sst s2  }
0x11: {  	[smem:s0+$0x2] =	sst s3  }
0x12: {  	[smem:s0+$0x3] =	sst s4  }
0x13: {  	[smem:s0+$0x4] =	sst s5  }
0x14: {  	[smem:s0+$0x5] =	sst s6  }
0x15: {  	[smem:s0+$0x6] =	sst s7  }
0x16: {  	[smem:s0+$0x7] =	sst s8  }
0x17: {  	[smem:s0+$0x8] =	sst s9  }
0x18: {  	[smem:s0+$0x9] =	sst s10  }
0x19: {  	[smem:s0+$0xA] =	sst s11  }
0x1a: {  	[smem:s0+$0xB] =	sst s12  }
0x1b: {  	[smem:s0+$0xC] =	sst s13;
	_ =	shalt  }
.Lfunc_end2:
execute0_lowered:
.L_overlay_start_2:
0x1c: {  	(tag) =	ssettag $0x2  }
0x1d: {  	s0 =	rddreg [dreg:$0x0]  }
0x1e: {  	s1 =	rddreg [dreg:$0x1]  }
0x1f: {  	s2 =	rddreg [dreg:$0x2]  }
0x20: {  	s3 =	rddreg [dreg:$0x3]  }
0x21: {  	s4 =	rddreg [dreg:$0x4]  }
0x22: {  	s5 =	rddreg [dreg:$0x5]  }
0x23: {  	s6 =	rddreg [dreg:$0x6];
	s11 =	srdreg.scid  }
0x24: {  	s7 =	rddreg [dreg:$0x7];
	s31 =	stileid.u32;
	s16 =	sand.u32 $0x1, s11  }
0x25: {  	s8 =	rddreg [dreg:$0x8];
	s11 =	sor.u32 s31, s16  }
0x26: {  	s9 =	rddreg [dreg:$0x9];
	p0 =	sne.s32 s11, $0x0  }
.Ltmp0:
0x27: {  	s10 =	rddreg [dreg:$0xa];
	(pc) =	sbr.rel @p0 .LBB3_31-.Ltmp0, $4  }
0x28: {  	s12 =	rddreg [dreg:$0xb]  }
0x29: {  	s14 =	rddreg [dreg:$0xc]  }
0x2a: {  	s15 =	rddreg [dreg:$0xd]  }
0x2b: {  	s13 =	sld [smem:$0x0];
	_ =	strace $0x80000047  }
0x2c: {  	s11 =	ssub.s32 $0x2, s16  }
0x2d: {  	s17 =	simm.s32 $0x0;
	v0 =	vlaneseq.u32;
	s18 =	simm.s32 $0x1;
	s19 =	simm.s32 $0x9D00  }
0x2e: {  	s20 =	simm.s32 $0xAD00;
	s21 =	simm.s32 $0x4E80;
	s22 =	simm.s32 $0xB500;
	v1 =	vmul.u32 $0xFFFFFFFF, v0  }
0x2f: {  	s23 =	simm.s32 $0xC900;
	s24 =	simm.s32 $0x11780;
	s16 =	sshrl.u32 s11, $0x1  }
0x30: {  	v2 =	vimm.s32 $0x0;
	s25 =	simm.s32 $0x12B80;
	s26 =	simm.s32 $0x0;
	s16 =	ssub.s32 s11, s16;
	v3 =	vadd.s32 $0xF, v1  }
.LBB3_2:
0x31: {  	[tilespmem:s17], [sflag:$0x1] =	stream.linear.gather [hbm4b:s0+s17], $0x4E80, $0x38;
	[tilespmem:$0x12C00] =	vst v63  }
0x32: {  	_ =	swait.ge [sflag:s18], $0x4E80  }
0x33: {  	[sflag:s18] =	ssyncset.done $0x0  }
0x34: {  	s29 =	simm.s32 $0x9D40;
	[sflag:s18] =	ssyncadd.s32 $0xFFFFB180  }
0x35: {  	[tilespmem:s29+$0xFFFFFFC0] =	vst v2  }
0x36: {  	[tilespmem:s29+$0x30] =	vst v2  }
0x37: {  	[tilespmem:s29+$0x20] =	vst v2  }
0x38: {  	[tilespmem:s29+$0x10] =	vst v2  }
0x39: {  	[tilespmem:s29+$0x0] =	vst v2  }
0x3a: {  	[tilespmem:s29+$0xFFFFFFF0] =	vst v2  }
0x3b: {  	s30 =	simm.s32 $0x0;
	[tilespmem:s29+$0xFFFFFFE0] =	vst v2  }
.LBB3_3:
0x3c: {  	s30 =	sadd.s32 $0x8, s30;
	[tilespmem:s29+$0xFFFFFFD0] =	vst v2;
	s29 =	sadd.s32 $0x80, s29;
	s28 =	simm.s32 $0xAD40  }
0x3d: {  	[tilespmem:s29+$0xFFFFFFC0] =	vst v2;
	p0 =	slt.u32 s30, $0xF8  }
0x3e: {  	[tilespmem:s29+$0x30] =	vst v2  }
.Ltmp1:
0x3f: {  	[tilespmem:s29+$0x20] =	vst v2;
	(pc) =	sbr.rel @p0 .LBB3_3-.Ltmp1, $4  }
0x40: {  	[tilespmem:s29+$0x10] =	vst v2  }
0x41: {  	[tilespmem:s29+$0x0] =	vst v2  }
0x42: {  	[tilespmem:s29+$0xFFFFFFF0] =	vst v2  }
0x43: {  	[tilespmem:s29+$0xFFFFFFE0] =	vst v2  }
0x44: {  	[tilespmem:s29+$0xFFFFFFD0] =	vst v2  }
0x45: {  	[tilespmem:s28+$0xFFFFFFC0] =	vst v2  }
0x46: {  	[tilespmem:s28+$0x30] =	vst v2  }
0x47: {  	[tilespmem:s28+$0x20] =	vst v2  }
0x48: {  	[tilespmem:s28+$0x10] =	vst v2  }
0x49: {  	[tilespmem:s28+$0x0] =	vst v2  }
0x4a: {  	[tilespmem:s28+$0xFFFFFFF0] =	vst v2  }
0x4b: {  	s30 =	simm.s32 $0x0;
	s29 =	simm.s32 $0x20;
	[tilespmem:s28+$0xFFFFFFE0] =	vst v2  }
.LBB3_5:
0x4c: {  	s30 =	sadd.s32 $0x8, s30;
	[tilespmem:s28+$0xFFFFFFD0] =	vst v2;
	s28 =	sadd.s32 $0x80, s28  }
0x4d: {  	[tilespmem:s28+$0xFFFFFFC0] =	vst v2;
	p0 =	slt.u32 s30, $0x78  }
0x4e: {  	[tilespmem:s28+$0x30] =	vst v2  }
.Ltmp2:
0x4f: {  	[tilespmem:s28+$0x20] =	vst v2;
	(pc) =	sbr.rel @p0 .LBB3_5-.Ltmp2, $4  }
0x50: {  	[tilespmem:s28+$0x10] =	vst v2  }
0x51: {  	[tilespmem:s28+$0x0] =	vst v2  }
0x52: {  	[tilespmem:s28+$0xFFFFFFF0] =	vst v2  }
0x53: {  	[tilespmem:s28+$0xFFFFFFE0] =	vst v2  }
0x54: {  	[tilespmem:s28+$0xFFFFFFD0] =	vst v2  }
0x55: {  	v4 =	vld [tilespmem:s29+$0xFFFFFFE0];
	_ =	sdelay $0x4  }
0x56: {  	v17 =	vand.u32 $0xFFF, v4  }
0x57: {  	(xrf1) =	vunique.msk.u32 $0xffff, v17  }
0x58: {  	v10 =	vld [tilespmem:s29+$0xFFFFFFF0]  }
0x59: {  	v23 =	vshrl.u32 v4, $0xC  }
0x5a: {  	(xrf1) =	vunique.msk.u32 $0xffff, v23  }
0x5b: {  	v11 =	vld [tilespmem:s29+$0x0]  }
0x5c: {  	v6 =	vld [tilespmem:s29+$0x20]  }
0x5d: {  	v5 =	vand.u32 $0xFFF, v10  }
0x5e: {  	v7 =	vld [tilespmem:s29+$0x10];
	(xrf1) =	vunique.msk.u32 $0xffff, v5;
	_ =	sdelay $0x1  }
0x5f: {  	v4 =	vand.u32 $0xFFF, v11  }
0x60: {  	v9 =	vand.u32 $0xFFF, v6;
	(xrf1) =	vunique.msk.u32 $0xffff, v4  }
0x61: {  	v8 =	vshrl.u32 v6, $0xC;
	(xrf1) =	vunique.msk.u32 $0xffff, v9  }
0x62: {  	s11 =	simm.s32 $0x70;
	v6 =	vand.u32 $0xFFF, v7;
	(xrf1) =	vunique.msk.u32 $0xffff, v8  }
0x63: {  	v14 =	vld [tilespmem:s11+$0xFFFFFFE0];
	v7 =	vshrl.u32 v7, $0xC;
	(xrf1) =	vunique.msk.u32 $0xffff, v6  }
0x64: {  	_, v18, vm1 =	vpop (xrf1);
	(xrf1) =	vunique.msk.u32 $0xffff, v7;
	_ =	sdelay $0x1  }
0x65: {  	v13 =	vld [tilespmem:s11+$0xFFFFFFF0];
	v10 =	vshrl.u32 v10, $0xC  }
0x66: {  	v11 =	vshrl.u32 v11, $0xC;
	_, v24, vm2 =	vpop (xrf1);
	(xrf1) =	vunique.msk.u32 $0xffff, v10  }
0x67: {  	v12 =	vand.u32 $0xFFF, v14;
	(xrf1) =	vunique.msk.u32 $0xffff, v11  }
0x68: {  	v15 =	vld [tilespmem:s11+$0x0];
	v16 =	vshrl.u32 v14, $0xC;
	(xrf1) =	vunique.msk.u32 $0xffff, v12  }
0x69: {  	v25 =	vld [tilespmem:s11+$0x20];
	(xrf1) =	vunique.msk.u32 $0xffff, v16  }
0x6a: {  	v19 =	vand.u32 $0xFFF, v13;
	_, v21, vm0 =	vpop (xrf1)  }
0x6b: {  	v20 =	vld [tilespmem:s11+$0x10];
	(xrf1) =	vunique.msk.u32 $0xffff, v19;
	_ =	sdelay $0x1  }
0x6c: {  	v14 =	vand.u32 $0xFFF, v15;
	[tilespmem:v17+s19+$0x0] =	vst.idx.add.s32.msk vm1, v18;
	_, v22, vm1 =	vpop (xrf1)  }
0x6d: {  	s28 =	simm.s32 $0x5;
	s29 =	simm.s32 $0xC0;
	v17 =	vand.u32 $0xFFF, v25;
	v18 =	vshrl.u32 v25, $0xC;
	(xrf1) =	vunique.msk.u32 $0xffff, v14;
	[tilespmem:v23+s20+$0x0] =	vst.idx.add.s32.msk vm2, v24;
	_, v23, vm2 =	vpop (xrf1)  }
.LBB3_7:
0x6e: {  	v24 =	vld [tilespmem:s29+$0xFFFFFFF0];
	s28 =	sadd.s32 $0x5, s28;
	(xrf1) =	vunique.msk.u32 $0xffff, v17;
	_, v25, vm4 =	vpop (xrf1);
	v26 =	vmov v16  }
0x6f: {  	v16 =	vand.u32 $0xFFF, v20;
	p0 =	slt.u32 s28, $0x4DD;
	(xrf1) =	vunique.msk.u32 $0xffff, v18;
	[tilespmem:v5+s19+$0x0] =	vst.idx.add.s32.msk vm0, v21;
	_, v21, vm0 =	vpop (xrf1);
	v5 =	vmov v19  }
0x70: {  	v27 =	vshrl.u32 v20, $0xC;
	v19 =	vld [tilespmem:s29+$0xFFFFFFE0];
	(xrf1) =	vunique.msk.u32 $0xffff, v16;
	_, v28, vm3 =	vpop (xrf1)  }
0x71: {  	v29 =	vld [tilespmem:s29+$0x0];
	(xrf1) =	vunique.msk.u32 $0xffff, v27  }
0x72: {  	[tilespmem:v4+s19+$0x0] =	vst.idx.add.s32.msk vm1, v22;
	v4 =	vmov v14  }
0x73: {  	v30 =	vshrl.u32 v15, $0xC;
	v22 =	vshrl.u32 v13, $0xC;
	[tilespmem:v9+s19+$0x0] =	vst.idx.add.s32.msk vm2, v23;
	_, v23, vm1 =	vpop (xrf1);
	v13 =	vmov v24  }
0x74: {  	v9 =	vmov v17;
	(xrf1) =	vunique.msk.u32 $0xffff, v22;
	[tilespmem:v8+s20+$0x0] =	vst.idx.add.s32.msk vm4, v25;
	_, v24, vm2 =	vpop (xrf1);
	v8 =	vmov v18  }
0x75: {  	v17 =	vand.u32 $0xFFF, v19;
	_, v18, vm4 =	vpop (xrf1);
	(xrf1) =	vunique.msk.u32 $0xffff, v30;
	[tilespmem:v6+s19+$0x0] =	vst.idx.add.s32.msk vm0, v21;
	v6 =	vmov v16  }
0x76: {  	v16 =	vshrl.u32 v19, $0xC;
	v20 =	vld [tilespmem:s29+$0x10];
	(xrf1) =	vunique.msk.u32 $0xffff, v17;
	_, v25, vm5 =	vpop (xrf1);
	v15 =	vmov v29  }
0x77: {  	v29 =	vld [tilespmem:s29+$0x20];
	(xrf1) =	vunique.msk.u32 $0xffff, v16  }
.Ltmp3:
0x78: {  	v19 =	vand.u32 $0xFFF, v13;
	v14 =	vand.u32 $0xFFF, v15;
	_, v21, vm0 =	vpop (xrf1);
	[tilespmem:v7+s20+$0x0] =	vst.idx.add.s32.msk vm3, v28;
	v7 =	vmov v27;
	(pc) =	sbr.rel @p0 .LBB3_7-.Ltmp3, $4  }
0x79: {  	(xrf1) =	vunique.msk.u32 $0xffff, v19;
	[tilespmem:v10+s20+$0x0] =	vst.idx.add.s32.msk vm1, v23;
	v10 =	vmov v22  }
0x7a: {  	[tilespmem:v11+s20+$0x0] =	vst.idx.add.s32.msk vm2, v24;
	v11 =	vmov v30  }
0x7b: {  	[tilespmem:v12+s19+$0x0] =	vst.idx.add.s32.msk vm4, v18;
	_, v22, vm1 =	vpop (xrf1);
	v12 =	vmov v17  }
0x7c: {  	s29 =	sadd.s32 $0x50, s29;
	v17 =	vand.u32 $0xFFF, v29;
	v18 =	vshrl.u32 v29, $0xC;
	(xrf1) =	vunique.msk.u32 $0xffff, v14;
	[tilespmem:v26+s20+$0x0] =	vst.idx.add.s32.msk vm5, v25;
	_, v23, vm2 =	vpop (xrf1)  }
0x7d: {  	(xrf1) =	vunique.msk.u32 $0xffff, v17  }
0x7e: {  	v24 =	vand.u32 $0xFFF, v20;
	(xrf1) =	vunique.msk.u32 $0xffff, v18  }
0x7f: {  	v63 =	vshrl.u32 v20, $0xC;
	(xrf1) =	vunique.msk.u32 $0xffff, v24  }
0x80: {  	v13 =	vshrl.u32 v13, $0xC;
	(xrf1) =	vunique.msk.u32 $0xffff, v63  }
0x81: {  	v15 =	vshrl.u32 v15, $0xC;
	(xrf1) =	vunique.msk.u32 $0xffff, v13  }
0x82: {  	_, v25, vm3 =	vpop (xrf1);
	(xrf1) =	vunique.msk.u32 $0xffff, v15  }
0x83: {  	_, v26, vm4 =	vpop (xrf1)  }
0x84: {  	_, v27, vm5 =	vpop (xrf1)  }
0x85: {  	[tilespmem:v5+s19+$0x0] =	vst.idx.add.s32.msk vm0, v21;
	_, v5, vm0 =	vpop (xrf1)  }
0x86: {  	[tilespmem:v4+s19+$0x0] =	vst.idx.add.s32.msk vm1, v22;
	_, v4, vm1 =	vpop (xrf1)  }
0x87: {  	[tilespmem:v9+s19+$0x0] =	vst.idx.add.s32.msk vm2, v23;
	_, v9, vm2 =	vpop (xrf1)  }
0x88: {  	[tilespmem:v8+s20+$0x0] =	vst.idx.add.s32.msk vm3, v25;
	_, v8, vm3 =	vpop (xrf1)  }
0x89: {  	[tilespmem:v6+s19+$0x0] =	vst.idx.add.s32.msk vm4, v26;
	_, v6, vm4 =	vpop (xrf1)  }
0x8a: {  	[tilespmem:v7+s20+$0x0] =	vst.idx.add.s32.msk vm5, v27;
	_, v7, vm5 =	vpop (xrf1)  }
0x8b: {  	[tilespmem:v10+s20+$0x0] =	vst.idx.add.s32.msk vm0, v5;
	_, v5, vm0 =	vpop (xrf1)  }
0x8c: {  	[tilespmem:v11+s20+$0x0] =	vst.idx.add.s32.msk vm1, v4;
	_, v4, vm1 =	vpop (xrf1)  }
0x8d: {  	[tilespmem:v12+s19+$0x0] =	vst.idx.add.s32.msk vm2, v9;
	_, v9, vm2 =	vpop (xrf1)  }
0x8e: {  	[tilespmem:v16+s20+$0x0] =	vst.idx.add.s32.msk vm3, v8;
	_, v8, vm3 =	vpop (xrf1)  }
0x8f: {  	[tilespmem:v19+s19+$0x0] =	vst.idx.add.s32.msk vm4, v6;
	_, v6, vm4 =	vpop (xrf1)  }
0x90: {  	[tilespmem:v14+s19+$0x0] =	vst.idx.add.s32.msk vm5, v7;
	_, v7, vm5 =	vpop (xrf1)  }
0x91: {  	[tilespmem:v17+s19+$0x0] =	vst.idx.add.s32.msk vm0, v5  }
0x92: {  	[tilespmem:v18+s20+$0x0] =	vst.idx.add.s32.msk vm1, v4  }
0x93: {  	[tilespmem:v24+s19+$0x0] =	vst.idx.add.s32.msk vm2, v9  }
0x94: {  	[tilespmem:v63+s20+$0x0] =	vst.idx.add.s32.msk vm3, v8  }
0x95: {  	[tilespmem:v13+s20+$0x0] =	vst.idx.add.s32.msk vm4, v6  }
0x96: {  	s11 =	simm.s32 $0xFF0;
	[tilespmem:v15+s20+$0x0] =	vst.idx.add.s32.msk vm5, v7  }
0x97: {  	v4 =	vld [tilespmem:s11+$0x9D00];
	_ =	sdelay $0x4  }
0x98: {  	(xrf0) =	vadd.scan.msk.s32 $0xffff, v4  }
0x99: {  	v5 =	vperm.xlane v4, v3;
	_ =	sdelay $0x1  }
0x9a: {  	(xrf0) =	vadd.scan.msk.s32 $0xffff, v5;
	_ =	sdelay $0x2  }
0x9b: {  	v5, _, _ =	vpop (xrf0)  }
0x9c: {  	(v2sf) =	vpush v5, $0xF;
	_ =	sdelay $0x1  }
0x9d: {  	v5, _, _ =	vpop (xrf0)  }
0x9e: {  	s28 =	simm.s32 $0x0;
	v5 =	vperm.xlane v5, v3  }
0x9f: {  	v4 =	vsub.s32 s28, v4  }
0xa0: {  	v4 =	vadd.s32 v5, v4  }
0xa1: {  	s29 =	simm.s32 $0xFE0;
	[tilespmem:s11+$0x9D00] =	vst v4  }
0xa2: {  	v4 =	vld [tilespmem:s29+$0x9D00];
	_ =	sdelay $0x4  }
0xa3: {  	v5 =	vperm.xlane v4, v3;
	(xrf0) =	vadd.scan.msk.s32 $0xffff, v4;
	_ =	sdelay $0x1  }
0xa4: {  	(xrf0) =	vadd.scan.msk.s32 $0xffff, v5  }
0xa5: {  	s31 =	simm.s32 $0x3F40;
	s30 =	simm.s32 $0x0;
	s11 =	spop (v2sf)  }
.LBB3_9:
0xa6: {  	p0 =	sne.s32 s31, $0x0  }
0xa7: {  	s30 =	sadd.s32 s30, s11;
	s11 =	smov.u32 s31;
	s31 =	sadd.s32 $0xFFFFFFC0, s31  }
0xa8: {  	v5, _, _ =	vpop (xrf0)  }
0xa9: {  	(v2sf) =	vpush v5, $0xF  }
0xaa: {  	v5, _, _ =	vpop (xrf0)  }
0xab: {  	v5 =	vperm.xlane v5, v3  }
0xac: {  	v4 =	vsub.s32 s30, v4  }
0xad: {  	v4 =	vadd.s32 v5, v4  }
0xae: {  	[tilespmem:s29+$0x9D00] =	vst v4;
	s29 =	sshra.s32 s11, $0x2  }
0xaf: {  	v4 =	vld [tilespmem:s29+$0x9D00];
	_ =	sdelay $0x4  }
.Ltmp4:
0xb0: {  	v5 =	vperm.xlane v4, v3;
	(xrf0) =	vadd.scan.msk.s32 $0xffff, v4;
	(pc) =	sbr.rel @p0 .LBB3_9-.Ltmp4, $3  }
0xb1: {  	_ = 	snop  }
0xb2: {  	(xrf0) =	vadd.scan.msk.s32 $0xffff, v5;
	_ =	sdelay $0x1  }
0xb3: {  	s11 =	spop (v2sf)  }
0xb4: {  	_ =	sdelay $0x1  }
0xb5: {  	v5, _, _ =	vpop (xrf0)  }
0xb6: {  	v6, _, _ =	vpop (xrf0)  }
0xb7: {  	s11 =	sadd.s32 s30, s11;
	v6 =	vperm.xlane v6, v3  }
0xb8: {  	v4 =	vsub.s32 s11, v4  }
0xb9: {  	v4 =	vadd.s32 v6, v4  }
0xba: {  	s31 =	simm.s32 $0x7F0;
	[tilespmem:s29+$0x9D00] =	vst v4  }
0xbb: {  	v4 =	vld [tilespmem:s31+$0xAD00];
	_ =	sdelay $0x4  }
0xbc: {  	(xrf0) =	vadd.scan.msk.s32 $0xffff, v4  }
0xbd: {  	v6 =	vperm.xlane v4, v3;
	_ =	sdelay $0x1  }
0xbe: {  	(xrf0) =	vadd.scan.msk.s32 $0xffff, v6;
	_ =	sdelay $0x2  }
0xbf: {  	(v2sf) =	vpush v5, $0xF;
	v5, _, _ =	vpop (xrf0)  }
0xc0: {  	(v2sf) =	vpush v5, $0xF;
	_ =	sdelay $0x1  }
0xc1: {  	v5, _, _ =	vpop (xrf0)  }
0xc2: {  	v5 =	vperm.xlane v5, v3  }
0xc3: {  	v4 =	vsub.s32 s28, v4  }
0xc4: {  	p0 =	por $0x1, $0x1;
	v4 =	vadd.s32 v5, v4  }
0xc5: {  	v4 =	vpsel !p0, $0x40000000, v4  }
0xc6: {  	s29 =	simm.s32 $0x7E0;
	[tilespmem:s31+$0xAD00] =	vst v4  }
0xc7: {  	v4 =	vld [tilespmem:s29+$0xAD00];
	_ =	sdelay $0x4  }
0xc8: {  	v5 =	vperm.xlane v4, v3;
	(xrf0) =	vadd.scan.msk.s32 $0xffff, v4  }
0xc9: {  	s31 =	spop (v2sf)  }
0xca: {  	s30 =	simm.s32 $0x1F40;
	(xrf0) =	vadd.scan.msk.s32 $0xffff, v5;
	s11 =	spop (v2sf)  }
.LBB3_11:
0xcb: {  	p0 =	sne.s32 s30, $0x0  }
0xcc: {  	s28 =	sadd.s32 s28, s11;
	s11 =	smov.u32 s30;
	s30 =	sadd.s32 $0xFFFFFFC0, s30  }
0xcd: {  	_ = 	snop  }
0xce: {  	v5, _, _ =	vpop (xrf0)  }
0xcf: {  	(v2sf) =	vpush v5, $0xF  }
0xd0: {  	v5, _, _ =	vpop (xrf0)  }
0xd1: {  	v5 =	vperm.xlane v5, v3  }
0xd2: {  	v4 =	vsub.s32 s28, v4  }
0xd3: {  	p1 =	slt.s32 s28, $0x1388;
	v4 =	vadd.s32 v5, v4  }
0xd4: {  	v4 =	vpsel !p1, $0x40000000, v4  }
0xd5: {  	[tilespmem:s29+$0xAD00] =	vst v4;
	s29 =	sshra.s32 s11, $0x2  }
0xd6: {  	v4 =	vld [tilespmem:s29+$0xAD00];
	_ =	sdelay $0x3  }
.Ltmp5:
0xd7: {  	(pc) =	sbr.rel @p0 .LBB3_11-.Ltmp5, $3  }
0xd8: {  	v5 =	vperm.xlane v4, v3;
	(xrf0) =	vadd.scan.msk.s32 $0xffff, v4;
	_ =	sdelay $0x1  }
0xd9: {  	(xrf0) =	vadd.scan.msk.s32 $0xffff, v5  }
0xda: {  	s11 =	spop (v2sf)  }
0xdb: {  	_ =	sdelay $0x1  }
0xdc: {  	v5, _, _ =	vpop (xrf0)  }
0xdd: {  	(v2sf) =	vpush v5, $0xF;
	_ =	sdelay $0x9  }
0xde: {  	v5, _, _ =	vpop (xrf0)  }
0xdf: {  	s11 =	sadd.s32 s28, s11;
	v5 =	vperm.xlane v5, v3  }
0xe0: {  	v4 =	vsub.s32 s11, v4  }
0xe1: {  	p0 =	slt.s32 s11, $0x1388;
	v4 =	vadd.s32 v5, v4  }
0xe2: {  	v4 =	vpsel !p0, $0x40000000, v4  }
0xe3: {  	s28 =	simm.s32 $0x40;
	[tilespmem:s29+$0xAD00] =	vst v4;
	s29 =	simm.s32 $0x20;
	s31 =	spop (v2sf)  }
.LBB3_13:
0xe4: {  	v4 =	vld [tilespmem:s29+$0xFFFFFFE0];
	_ =	sdelay $0x4  }
0xe5: {  	v5 =	vand.u32 $0xFFF, v4  }
0xe6: {  	(xrf1) =	vunique.msk.u32 $0xffff, v5;
	_ =	sdelay $0x9  }
0xe7: {  	v6 =	vld.idx.msk [tilespmem:v5+s19+$0x0], $0xffff;
	_ =	sdelay $0x3  }
0xe8: {  	_, v7, vm0 =	vpop (xrf1)  }
0xe9: {  	v6 =	vadd.s32 v7, v6  }
0xea: {  	v6 =	vadd.s32 $0xFFFFFFFF, v6  }
0xeb: {  	v4 =	vshll.u32 v4, $0x3  }
0xec: {  	s11 =	sadd.s32 $0xFFFFFFC0, s28;
	v4 =	vand.u32 $0xFFFF8000, v4  }
0xed: {  	v4 =	vor.u32 s11, v4  }
0xee: {  	v4 =	vor.u32 v0, v4  }
0xef: {  	[tilespmem:v6+s21+$0x0] =	vst.idx.msk $0xffff, v4  }
0xf0: {  	[tilespmem:v5+s19+$0x0] =	vst.idx.add.s32.msk vm0, v7  }
0xf1: {  	v4 =	vld [tilespmem:s29+$0xFFFFFFF0];
	_ =	sdelay $0x4  }
0xf2: {  	v5 =	vand.u32 $0xFFF, v4  }
0xf3: {  	(xrf1) =	vunique.msk.u32 $0xffff, v5;
	_ =	sdelay $0x9  }
0xf4: {  	v6 =	vld.idx.msk [tilespmem:v5+s19+$0x0], $0xffff;
	_ =	sdelay $0x3  }
0xf5: {  	_, v7, vm0 =	vpop (xrf1)  }
0xf6: {  	v6 =	vadd.s32 v7, v6  }
0xf7: {  	v6 =	vadd.s32 $0xFFFFFFFF, v6  }
0xf8: {  	v4 =	vshll.u32 v4, $0x3  }
0xf9: {  	s31 =	sadd.s32 $0xFFFFFFD0, s28;
	v4 =	vand.u32 $0xFFFF8000, v4  }
0xfa: {  	v4 =	vor.u32 s31, v4  }
0xfb: {  	v4 =	vor.u32 v0, v4  }
0xfc: {  	[tilespmem:v6+s21+$0x0] =	vst.idx.msk $0xffff, v4  }
0xfd: {  	[tilespmem:v5+s19+$0x0] =	vst.idx.add.s32.msk vm0, v7  }
0xfe: {  	v4 =	vld [tilespmem:s29+$0x0];
	_ =	sdelay $0x4  }
0xff: {  	v5 =	vand.u32 $0xFFF, v4  }
0x100: {  	(xrf1) =	vunique.msk.u32 $0xffff, v5;
	_ =	sdelay $0x9  }
0x101: {  	v6 =	vld.idx.msk [tilespmem:v5+s19+$0x0], $0xffff;
	_ =	sdelay $0x3  }
0x102: {  	_, v7, vm0 =	vpop (xrf1)  }
0x103: {  	v6 =	vadd.s32 v7, v6  }
0x104: {  	v6 =	vadd.s32 $0xFFFFFFFF, v6  }
0x105: {  	v4 =	vshll.u32 v4, $0x3  }
0x106: {  	s30 =	sadd.s32 $0xFFFFFFE0, s28;
	v4 =	vand.u32 $0xFFFF8000, v4  }
0x107: {  	v4 =	vor.u32 s30, v4  }
0x108: {  	v4 =	vor.u32 v0, v4  }
0x109: {  	[tilespmem:v6+s21+$0x0] =	vst.idx.msk $0xffff, v4  }
0x10a: {  	[tilespmem:v5+s19+$0x0] =	vst.idx.add.s32.msk vm0, v7  }
0x10b: {  	v4 =	vld [tilespmem:s29+$0x10];
	_ =	sdelay $0x4  }
0x10c: {  	v5 =	vand.u32 $0xFFF, v4  }
0x10d: {  	(xrf1) =	vunique.msk.u32 $0xffff, v5;
	_ =	sdelay $0x9  }
0x10e: {  	v6 =	vld.idx.msk [tilespmem:v5+s19+$0x0], $0xffff;
	_ =	sdelay $0x3  }
0x10f: {  	_, v7, vm0 =	vpop (xrf1)  }
0x110: {  	v6 =	vadd.s32 v7, v6  }
0x111: {  	v6 =	vadd.s32 $0xFFFFFFFF, v6  }
0x112: {  	v4 =	vshll.u32 v4, $0x3  }
0x113: {  	s31 =	sadd.s32 $0xFFFFFFF0, s28;
	v4 =	vand.u32 $0xFFFF8000, v4  }
0x114: {  	v4 =	vor.u32 s31, v4  }
0x115: {  	v4 =	vor.u32 v0, v4  }
0x116: {  	[tilespmem:v6+s21+$0x0] =	vst.idx.msk $0xffff, v4  }
0x117: {  	[tilespmem:v5+s19+$0x0] =	vst.idx.add.s32.msk vm0, v7  }
0x118: {  	v4 =	vld [tilespmem:s29+$0x20];
	_ =	sdelay $0x4  }
0x119: {  	v5 =	vand.u32 $0xFFF, v4  }
0x11a: {  	(xrf1) =	vunique.msk.u32 $0xffff, v5;
	_ =	sdelay $0x9  }
0x11b: {  	v6 =	vld.idx.msk [tilespmem:v5+s19+$0x0], $0xffff;
	_ =	sdelay $0x3  }
0x11c: {  	_, v7, vm0 =	vpop (xrf1)  }
0x11d: {  	v6 =	vadd.s32 v7, v6  }
0x11e: {  	v6 =	vadd.s32 $0xFFFFFFFF, v6  }
0x11f: {  	p0 =	sne.s32 s28, $0x4E10;
	v4 =	vshll.u32 v4, $0x3  }
.Ltmp6:
0x120: {  	v4 =	vand.u32 $0xFFFF8000, v4;
	(pc) =	sbr.rel @p0 .LBB3_13-.Ltmp6, $4  }
0x121: {  	v4 =	vor.u32 s28, v4  }
0x122: {  	v4 =	vor.u32 v0, v4  }
0x123: {  	[tilespmem:v6+s21+$0x0] =	vst.idx.msk $0xffff, v4  }
0x124: {  	s29 =	sadd.s32 $0x50, s29;
	s28 =	sadd.s32 $0x50, s28;
	[tilespmem:v5+s19+$0x0] =	vst.idx.add.s32.msk vm0, v7  }
0x125: {  	[tilespmem:$0xC880] =	vst v2  }
0x126: {  	[tilespmem:$0xC890] =	vst v2  }
0x127: {  	[tilespmem:$0xC8A0] =	vst v2  }
0x128: {  	[tilespmem:$0xC8B0] =	vst v2  }
0x129: {  	[tilespmem:$0xC8C0] =	vst v2  }
0x12a: {  	[tilespmem:$0xC8D0] =	vst v2  }
0x12b: {  	[tilespmem:$0xC8E0] =	vst v2  }
0x12c: {  	[tilespmem:$0xC8F0] =	vst v2;
	s28 =	simm.s32 $0x0  }
.LBB3_15:
0x12d: {  	s11 =	sshra.s32 s28, $0x2  }
0x12e: {  	v4 =	vld [tilespmem:s11+$0x4E80];
	_ =	sdelay $0x4  }
0x12f: {  	v5 =	vshrl.u32 v4, $0xF  }
0x130: {  	(xrf1) =	vunique.msk.u32 $0xffff, v5;
	_ =	sdelay $0x9  }
0x131: {  	v6 =	vld.idx.msk [tilespmem:v5+s20+$0x0], $0xffff;
	_ =	sdelay $0x3  }
0x132: {  	_, v7, vm0 =	vpop (xrf1)  }
0x133: {  	v6 =	vadd.s32 v7, v6  }
0x134: {  	v6 =	vadd.s32 $0xFFFFFFFF, v6  }
0x135: {  	vm1 =	vlt.s32 v6, $0x1388;
	_ =	sdelay $0x4  }
0x136: {  	v4 =	vand.u32 $0x7FFF, v4  }
0x137: {  	[tilespmem:v6+s22+$0x0] =	vst.idx.msk vm1, v4  }
0x138: {  	[tilespmem:v5+s20+$0x0] =	vst.idx.add.s32.msk vm0, v7  }
0x139: {  	v4 =	vld [tilespmem:s11+$0x4E90];
	_ =	sdelay $0x4  }
0x13a: {  	v5 =	vshrl.u32 v4, $0xF  }
0x13b: {  	(xrf1) =	vunique.msk.u32 $0xffff, v5;
	_ =	sdelay $0x9  }
0x13c: {  	v6 =	vld.idx.msk [tilespmem:v5+s20+$0x0], $0xffff;
	_ =	sdelay $0x3  }
0x13d: {  	_, v7, vm0 =	vpop (xrf1)  }
0x13e: {  	v6 =	vadd.s32 v7, v6  }
0x13f: {  	v6 =	vadd.s32 $0xFFFFFFFF, v6  }
0x140: {  	vm12 =	vlt.s32 v6, $0x1388;
	_ =	sdelay $0x4  }
0x141: {  	v4 =	vand.u32 $0x7FFF, v4  }
0x142: {  	[tilespmem:v6+s22+$0x0] =	vst.idx.msk vm12, v4  }
0x143: {  	[tilespmem:v5+s20+$0x0] =	vst.idx.add.s32.msk vm0, v7  }
0x144: {  	v4 =	vld [tilespmem:s11+$0x4EA0];
	_ =	sdelay $0x4  }
0x145: {  	v5 =	vshrl.u32 v4, $0xF  }
0x146: {  	(xrf1) =	vunique.msk.u32 $0xffff, v5;
	_ =	sdelay $0x9  }
0x147: {  	v6 =	vld.idx.msk [tilespmem:v5+s20+$0x0], $0xffff;
	_ =	sdelay $0x3  }
0x148: {  	_, v7, vm0 =	vpop (xrf1)  }
0x149: {  	v6 =	vadd.s32 v7, v6  }
0x14a: {  	v6 =	vadd.s32 $0xFFFFFFFF, v6  }
0x14b: {  	vm13 =	vlt.s32 v6, $0x1388;
	_ =	sdelay $0x4  }
0x14c: {  	v4 =	vand.u32 $0x7FFF, v4  }
0x14d: {  	[tilespmem:v6+s22+$0x0] =	vst.idx.msk vm13, v4  }
0x14e: {  	[tilespmem:v5+s20+$0x0] =	vst.idx.add.s32.msk vm0, v7  }
0x14f: {  	v4 =	vld [tilespmem:s11+$0x4EB0];
	_ =	sdelay $0x4  }
0x150: {  	v5 =	vshrl.u32 v4, $0xF  }
0x151: {  	(xrf1) =	vunique.msk.u32 $0xffff, v5;
	_ =	sdelay $0x9  }
0x152: {  	v6 =	vld.idx.msk [tilespmem:v5+s20+$0x0], $0xffff;
	_ =	sdelay $0x3  }
0x153: {  	_, v7, vm0 =	vpop (xrf1)  }
0x154: {  	v6 =	vadd.s32 v7, v6  }
0x155: {  	v6 =	vadd.s32 $0xFFFFFFFF, v6  }
0x156: {  	vm14 =	vlt.s32 v6, $0x1388;
	_ =	sdelay $0x4  }
0x157: {  	v4 =	vand.u32 $0x7FFF, v4  }
0x158: {  	[tilespmem:v6+s22+$0x0] =	vst.idx.msk vm14, v4  }
0x159: {  	[tilespmem:v5+s20+$0x0] =	vst.idx.add.s32.msk vm0, v7  }
0x15a: {  	v4 =	vld [tilespmem:s11+$0x4EC0];
	_ =	sdelay $0x4  }
0x15b: {  	v5 =	vshrl.u32 v4, $0xF  }
0x15c: {  	(xrf1) =	vunique.msk.u32 $0xffff, v5;
	_ =	sdelay $0x9  }
0x15d: {  	v6 =	vld.idx.msk [tilespmem:v5+s20+$0x0], $0xffff;
	_ =	sdelay $0x3  }
0x15e: {  	_, v7, vm0 =	vpop (xrf1)  }
0x15f: {  	v6 =	vadd.s32 v7, v6  }
0x160: {  	v6 =	vadd.s32 $0xFFFFFFFF, v6  }
0x161: {  	vm15 =	vlt.s32 v6, $0x1388;
	_ =	sdelay $0x1  }
0x162: {  	p0 =	sne.s32 s28, $0x13740  }
.Ltmp7:
0x163: {  	_ = 	snop;
	(pc) =	sbr.rel @p0 .LBB3_15-.Ltmp7, $4  }
0x164: {  	_ = 	snop  }
0x165: {  	v4 =	vand.u32 $0x7FFF, v4  }
0x166: {  	[tilespmem:v6+s22+$0x0] =	vst.idx.msk vm15, v4  }
0x167: {  	s28 =	sadd.s32 $0x140, s28;
	[tilespmem:v5+s20+$0x0] =	vst.idx.add.s32.msk vm0, v7  }
0x168: {  	[tilespmem:s23], [sflag:$0x1] =	stream.linear.gather [hbm4b:s1+s17], $0x4E80, $0x38;
	[tilespmem:$0x12C00] =	vst v63  }
0x169: {  	_ =	swait.ge [sflag:s18], $0x4E80  }
0x16a: {  	[sflag:s18] =	ssyncset.done $0x0  }
0x16b: {  	s11 =	simm.s32 $0xB540;
	[sflag:s18] =	ssyncadd.s32 $0xFFFFB180  }
0x16c: {  	v4 =	vld [tilespmem:s11+$0x30]  }
0x16d: {  	v5 =	vld [tilespmem:s11+$0xFFFFFFD0]  }
0x16e: {  	v6 =	vld [tilespmem:s11+$0xFFFFFFE0]  }
0x16f: {  	v7 =	vld [tilespmem:s11+$0xFFFFFFF0]  }
0x170: {  	v8 =	vld [tilespmem:s11+$0x0]  }
0x171: {  	v10 =	vld [tilespmem:s11+$0x10]  }
0x172: {  	v11 =	vld [tilespmem:s11+$0x20]  }
0x173: {  	v12 =	vld [tilespmem:s11+$0xFFFFFFC0]  }
0x174: {  	v13 =	vld.idx.msk [tilespmem:v4+s23+$0x0], $0xffff  }
0x175: {  	v14 =	vld.idx.msk [tilespmem:v5+s23+$0x0], $0xffff  }
0x176: {  	v9 =	vld.idx.msk [tilespmem:v6+s23+$0x0], $0xffff  }
0x177: {  	v7 =	vld.idx.msk [tilespmem:v7+s23+$0x0], $0xffff  }
0x178: {  	v4 =	vld.idx.msk [tilespmem:v8+s23+$0x0], $0xffff  }
0x179: {  	s28 =	simm.s32 $0x117C0;
	v5 =	vld.idx.msk [tilespmem:v10+s23+$0x0], $0xffff  }
0x17a: {  	v6 =	vld.idx.msk [tilespmem:v11+s23+$0x0], $0xffff;
	[tilespmem:s28+$0x30] =	vst v13  }
0x17b: {  	s29 =	simm.s32 $0x0;
	s30 =	simm.s32 $0xB5C0;
	v8 =	vld.idx.msk [tilespmem:v12+s23+$0x0], $0xffff;
	[tilespmem:s28+$0xFFFFFFD0] =	vst v14  }
.LBB3_17:
0x17c: {  	v10 =	vld [tilespmem:s30+$0x30];
	s29 =	sadd.s32 $0x8, s29;
	[tilespmem:s28+$0xFFFFFFE0] =	vst v9  }
0x17d: {  	v9 =	vld [tilespmem:s30+$0xFFFFFFD0];
	p0 =	slt.u32 s29, $0x138;
	[tilespmem:s28+$0xFFFFFFF0] =	vst v7  }
0x17e: {  	v7 =	vld [tilespmem:s30+$0xFFFFFFE0];
	[tilespmem:s28+$0x0] =	vst v4  }
0x17f: {  	v4 =	vld [tilespmem:s30+$0xFFFFFFF0];
	[tilespmem:s28+$0x10] =	vst v5  }
0x180: {  	v5 =	vld [tilespmem:s30+$0x0];
	[tilespmem:s28+$0x20] =	vst v6  }
0x181: {  	v6 =	vld [tilespmem:s30+$0x10];
	[tilespmem:s28+$0xFFFFFFC0] =	vst v8  }
0x182: {  	v8 =	vld [tilespmem:s30+$0x20]  }
0x183: {  	v11 =	vld [tilespmem:s30+$0xFFFFFFC0]  }
0x184: {  	v10 =	vld.idx.msk [tilespmem:v10+s23+$0x0], $0xffff  }
0x185: {  	v12 =	vld.idx.msk [tilespmem:v9+s23+$0x0], $0xffff  }
0x186: {  	v9 =	vld.idx.msk [tilespmem:v7+s23+$0x0], $0xffff  }
.Ltmp8:
0x187: {  	v7 =	vld.idx.msk [tilespmem:v4+s23+$0x0], $0xffff;
	(pc) =	sbr.rel @p0 .LBB3_17-.Ltmp8, $4  }
0x188: {  	v4 =	vld.idx.msk [tilespmem:v5+s23+$0x0], $0xffff  }
0x189: {  	s28 =	sadd.s32 $0x80, s28;
	v5 =	vld.idx.msk [tilespmem:v6+s23+$0x0], $0xffff  }
0x18a: {  	v6 =	vld.idx.msk [tilespmem:v8+s23+$0x0], $0xffff;
	[tilespmem:s28+$0x30] =	vst v10  }
0x18b: {  	s30 =	sadd.s32 $0x80, s30;
	v8 =	vld.idx.msk [tilespmem:v11+s23+$0x0], $0xffff;
	[tilespmem:s28+$0xFFFFFFD0] =	vst v12  }
0x18c: {  	[tilespmem:s28+$0xFFFFFFE0] =	vst v9  }
0x18d: {  	[tilespmem:s28+$0xFFFFFFF0] =	vst v7  }
0x18e: {  	[tilespmem:s28+$0x0] =	vst v4  }
0x18f: {  	[tilespmem:s28+$0x10] =	vst v5  }
0x190: {  	[tilespmem:s28+$0x20] =	vst v6  }
0x191: {  	[tilespmem:s28+$0xFFFFFFC0] =	vst v8  }
0x192: {  	[hbm4b:s7+s17] =	stream.linear.scatter [tilespmem:s24], [sflag:$0x1], $0x1388, $0x38;
	[tilespmem:$0x12C00] =	vst v63  }
0x193: {  	_ =	swait.ge [sflag:s18], $0x1388  }
0x194: {  	[sflag:s18] =	ssyncset.done $0x0  }
0x195: {  	[sflag:s18] =	ssyncadd.s32 $0xFFFFEC78  }
0x196: {  	[tilespmem:s23], [sflag:$0x1] =	stream.linear.gather [hbm4b:s2+s17], $0x4E80, $0x38;
	[tilespmem:$0x12C00] =	vst v63  }
0x197: {  	_ =	swait.ge [sflag:s18], $0x4E80  }
0x198: {  	[sflag:s18] =	ssyncset.done $0x0  }
0x199: {  	s11 =	simm.s32 $0xB540;
	[sflag:s18] =	ssyncadd.s32 $0xFFFFB180  }
0x19a: {  	v4 =	vld [tilespmem:s11+$0x30]  }
0x19b: {  	v5 =	vld [tilespmem:s11+$0xFFFFFFD0]  }
0x19c: {  	v6 =	vld [tilespmem:s11+$0xFFFFFFE0]  }
0x19d: {  	v7 =	vld [tilespmem:s11+$0xFFFFFFF0]  }
0x19e: {  	v8 =	vld [tilespmem:s11+$0x0]  }
0x19f: {  	v10 =	vld [tilespmem:s11+$0x10]  }
0x1a0: {  	v11 =	vld [tilespmem:s11+$0x20]  }
0x1a1: {  	v12 =	vld [tilespmem:s11+$0xFFFFFFC0]  }
0x1a2: {  	v13 =	vld.idx.msk [tilespmem:v4+s23+$0x0], $0xffff  }
0x1a3: {  	v14 =	vld.idx.msk [tilespmem:v5+s23+$0x0], $0xffff  }
0x1a4: {  	v9 =	vld.idx.msk [tilespmem:v6+s23+$0x0], $0xffff  }
0x1a5: {  	v7 =	vld.idx.msk [tilespmem:v7+s23+$0x0], $0xffff  }
0x1a6: {  	v4 =	vld.idx.msk [tilespmem:v8+s23+$0x0], $0xffff  }
0x1a7: {  	s28 =	simm.s32 $0x117C0;
	v5 =	vld.idx.msk [tilespmem:v10+s23+$0x0], $0xffff  }
0x1a8: {  	v6 =	vld.idx.msk [tilespmem:v11+s23+$0x0], $0xffff;
	[tilespmem:s28+$0x30] =	vst v13  }
0x1a9: {  	s29 =	simm.s32 $0x0;
	s30 =	simm.s32 $0xB5C0;
	v8 =	vld.idx.msk [tilespmem:v12+s23+$0x0], $0xffff;
	[tilespmem:s28+$0xFFFFFFD0] =	vst v14  }
.LBB3_19:
0x1aa: {  	v10 =	vld [tilespmem:s30+$0x30];
	s29 =	sadd.s32 $0x8, s29;
	[tilespmem:s28+$0xFFFFFFE0] =	vst v9  }
0x1ab: {  	v9 =	vld [tilespmem:s30+$0xFFFFFFD0];
	p0 =	slt.u32 s29, $0x138;
	[tilespmem:s28+$0xFFFFFFF0] =	vst v7  }
0x1ac: {  	v7 =	vld [tilespmem:s30+$0xFFFFFFE0];
	[tilespmem:s28+$0x0] =	vst v4  }
0x1ad: {  	v4 =	vld [tilespmem:s30+$0xFFFFFFF0];
	[tilespmem:s28+$0x10] =	vst v5  }
0x1ae: {  	v5 =	vld [tilespmem:s30+$0x0];
	[tilespmem:s28+$0x20] =	vst v6  }
0x1af: {  	v6 =	vld [tilespmem:s30+$0x10];
	[tilespmem:s28+$0xFFFFFFC0] =	vst v8  }
0x1b0: {  	v8 =	vld [tilespmem:s30+$0x20]  }
0x1b1: {  	v11 =	vld [tilespmem:s30+$0xFFFFFFC0]  }
0x1b2: {  	v10 =	vld.idx.msk [tilespmem:v10+s23+$0x0], $0xffff  }
0x1b3: {  	v12 =	vld.idx.msk [tilespmem:v9+s23+$0x0], $0xffff  }
0x1b4: {  	v9 =	vld.idx.msk [tilespmem:v7+s23+$0x0], $0xffff  }
.Ltmp9:
0x1b5: {  	v7 =	vld.idx.msk [tilespmem:v4+s23+$0x0], $0xffff;
	(pc) =	sbr.rel @p0 .LBB3_19-.Ltmp9, $4  }
0x1b6: {  	v4 =	vld.idx.msk [tilespmem:v5+s23+$0x0], $0xffff  }
0x1b7: {  	s28 =	sadd.s32 $0x80, s28;
	v5 =	vld.idx.msk [tilespmem:v6+s23+$0x0], $0xffff  }
0x1b8: {  	v6 =	vld.idx.msk [tilespmem:v8+s23+$0x0], $0xffff;
	[tilespmem:s28+$0x30] =	vst v10  }
0x1b9: {  	s30 =	sadd.s32 $0x80, s30;
	v8 =	vld.idx.msk [tilespmem:v11+s23+$0x0], $0xffff;
	[tilespmem:s28+$0xFFFFFFD0] =	vst v12  }
0x1ba: {  	[tilespmem:s28+$0xFFFFFFE0] =	vst v9  }
0x1bb: {  	[tilespmem:s28+$0xFFFFFFF0] =	vst v7  }
0x1bc: {  	[tilespmem:s28+$0x0] =	vst v4  }
0x1bd: {  	[tilespmem:s28+$0x10] =	vst v5  }
0x1be: {  	[tilespmem:s28+$0x20] =	vst v6  }
0x1bf: {  	[tilespmem:s28+$0xFFFFFFC0] =	vst v8  }
0x1c0: {  	[hbm4b:s8+s17] =	stream.linear.scatter [tilespmem:s24], [sflag:$0x1], $0x1388, $0x38;
	[tilespmem:$0x12C00] =	vst v63  }
0x1c1: {  	_ =	swait.ge [sflag:s18], $0x1388  }
0x1c2: {  	[sflag:s18] =	ssyncset.done $0x0  }
0x1c3: {  	[sflag:s18] =	ssyncadd.s32 $0xFFFFEC78  }
0x1c4: {  	[tilespmem:s23], [sflag:$0x1] =	stream.linear.gather [hbm4b:s3+s17], $0x4E80, $0x38;
	[tilespmem:$0x12C00] =	vst v63  }
0x1c5: {  	_ =	swait.ge [sflag:s18], $0x4E80  }
0x1c6: {  	[sflag:s18] =	ssyncset.done $0x0  }
0x1c7: {  	s11 =	simm.s32 $0xB540;
	[sflag:s18] =	ssyncadd.s32 $0xFFFFB180  }
0x1c8: {  	v4 =	vld [tilespmem:s11+$0x30]  }
0x1c9: {  	v5 =	vld [tilespmem:s11+$0xFFFFFFD0]  }
0x1ca: {  	v6 =	vld [tilespmem:s11+$0xFFFFFFE0]  }
0x1cb: {  	v7 =	vld [tilespmem:s11+$0xFFFFFFF0]  }
0x1cc: {  	v8 =	vld [tilespmem:s11+$0x0]  }
0x1cd: {  	v10 =	vld [tilespmem:s11+$0x10]  }
0x1ce: {  	v11 =	vld [tilespmem:s11+$0x20]  }
0x1cf: {  	v12 =	vld [tilespmem:s11+$0xFFFFFFC0]  }
0x1d0: {  	v13 =	vld.idx.msk [tilespmem:v4+s23+$0x0], $0xffff  }
0x1d1: {  	v14 =	vld.idx.msk [tilespmem:v5+s23+$0x0], $0xffff  }
0x1d2: {  	v9 =	vld.idx.msk [tilespmem:v6+s23+$0x0], $0xffff  }
0x1d3: {  	v7 =	vld.idx.msk [tilespmem:v7+s23+$0x0], $0xffff  }
0x1d4: {  	v4 =	vld.idx.msk [tilespmem:v8+s23+$0x0], $0xffff  }
0x1d5: {  	s28 =	simm.s32 $0x117C0;
	v5 =	vld.idx.msk [tilespmem:v10+s23+$0x0], $0xffff  }
0x1d6: {  	v6 =	vld.idx.msk [tilespmem:v11+s23+$0x0], $0xffff;
	[tilespmem:s28+$0x30] =	vst v13  }
0x1d7: {  	s29 =	simm.s32 $0x0;
	s30 =	simm.s32 $0xB5C0;
	v8 =	vld.idx.msk [tilespmem:v12+s23+$0x0], $0xffff;
	[tilespmem:s28+$0xFFFFFFD0] =	vst v14  }
.LBB3_21:
0x1d8: {  	v10 =	vld [tilespmem:s30+$0x30];
	s29 =	sadd.s32 $0x8, s29;
	[tilespmem:s28+$0xFFFFFFE0] =	vst v9  }
0x1d9: {  	v9 =	vld [tilespmem:s30+$0xFFFFFFD0];
	p0 =	slt.u32 s29, $0x138;
	[tilespmem:s28+$0xFFFFFFF0] =	vst v7  }
0x1da: {  	v7 =	vld [tilespmem:s30+$0xFFFFFFE0];
	[tilespmem:s28+$0x0] =	vst v4  }
0x1db: {  	v4 =	vld [tilespmem:s30+$0xFFFFFFF0];
	[tilespmem:s28+$0x10] =	vst v5  }
0x1dc: {  	v5 =	vld [tilespmem:s30+$0x0];
	[tilespmem:s28+$0x20] =	vst v6  }
0x1dd: {  	v6 =	vld [tilespmem:s30+$0x10];
	[tilespmem:s28+$0xFFFFFFC0] =	vst v8  }
0x1de: {  	v8 =	vld [tilespmem:s30+$0x20]  }
0x1df: {  	v11 =	vld [tilespmem:s30+$0xFFFFFFC0]  }
0x1e0: {  	v10 =	vld.idx.msk [tilespmem:v10+s23+$0x0], $0xffff  }
0x1e1: {  	v12 =	vld.idx.msk [tilespmem:v9+s23+$0x0], $0xffff  }
0x1e2: {  	v9 =	vld.idx.msk [tilespmem:v7+s23+$0x0], $0xffff  }
.Ltmp10:
0x1e3: {  	v7 =	vld.idx.msk [tilespmem:v4+s23+$0x0], $0xffff;
	(pc) =	sbr.rel @p0 .LBB3_21-.Ltmp10, $4  }
0x1e4: {  	v4 =	vld.idx.msk [tilespmem:v5+s23+$0x0], $0xffff  }
0x1e5: {  	s28 =	sadd.s32 $0x80, s28;
	v5 =	vld.idx.msk [tilespmem:v6+s23+$0x0], $0xffff  }
0x1e6: {  	v6 =	vld.idx.msk [tilespmem:v8+s23+$0x0], $0xffff;
	[tilespmem:s28+$0x30] =	vst v10  }
0x1e7: {  	s30 =	sadd.s32 $0x80, s30;
	v8 =	vld.idx.msk [tilespmem:v11+s23+$0x0], $0xffff;
	[tilespmem:s28+$0xFFFFFFD0] =	vst v12  }
0x1e8: {  	[tilespmem:s28+$0xFFFFFFE0] =	vst v9  }
0x1e9: {  	[tilespmem:s28+$0xFFFFFFF0] =	vst v7  }
0x1ea: {  	[tilespmem:s28+$0x0] =	vst v4  }
0x1eb: {  	[tilespmem:s28+$0x10] =	vst v5  }
0x1ec: {  	[tilespmem:s28+$0x20] =	vst v6  }
0x1ed: {  	[tilespmem:s28+$0xFFFFFFC0] =	vst v8  }
0x1ee: {  	[hbm4b:s9+s17] =	stream.linear.scatter [tilespmem:s24], [sflag:$0x1], $0x1388, $0x38;
	[tilespmem:$0x12C00] =	vst v63  }
0x1ef: {  	_ =	swait.ge [sflag:s18], $0x1388  }
0x1f0: {  	[sflag:s18] =	ssyncset.done $0x0  }
0x1f1: {  	[sflag:s18] =	ssyncadd.s32 $0xFFFFEC78  }
0x1f2: {  	[tilespmem:s23], [sflag:$0x1] =	stream.linear.gather [hbm4b:s4+s17], $0x4E80, $0x38;
	[tilespmem:$0x12C00] =	vst v63  }
0x1f3: {  	_ =	swait.ge [sflag:s18], $0x4E80  }
0x1f4: {  	[sflag:s18] =	ssyncset.done $0x0  }
0x1f5: {  	s11 =	simm.s32 $0xB540;
	[sflag:s18] =	ssyncadd.s32 $0xFFFFB180  }
0x1f6: {  	v4 =	vld [tilespmem:s11+$0x30]  }
0x1f7: {  	v5 =	vld [tilespmem:s11+$0xFFFFFFD0]  }
0x1f8: {  	v6 =	vld [tilespmem:s11+$0xFFFFFFE0]  }
0x1f9: {  	v7 =	vld [tilespmem:s11+$0xFFFFFFF0]  }
0x1fa: {  	v8 =	vld [tilespmem:s11+$0x0]  }
0x1fb: {  	v10 =	vld [tilespmem:s11+$0x10]  }
0x1fc: {  	v11 =	vld [tilespmem:s11+$0x20]  }
0x1fd: {  	v12 =	vld [tilespmem:s11+$0xFFFFFFC0]  }
0x1fe: {  	v13 =	vld.idx.msk [tilespmem:v4+s23+$0x0], $0xffff  }
0x1ff: {  	v14 =	vld.idx.msk [tilespmem:v5+s23+$0x0], $0xffff  }
0x200: {  	v9 =	vld.idx.msk [tilespmem:v6+s23+$0x0], $0xffff  }
0x201: {  	v7 =	vld.idx.msk [tilespmem:v7+s23+$0x0], $0xffff  }
0x202: {  	v4 =	vld.idx.msk [tilespmem:v8+s23+$0x0], $0xffff  }
0x203: {  	s28 =	simm.s32 $0x117C0;
	v5 =	vld.idx.msk [tilespmem:v10+s23+$0x0], $0xffff  }
0x204: {  	v6 =	vld.idx.msk [tilespmem:v11+s23+$0x0], $0xffff;
	[tilespmem:s28+$0x30] =	vst v13  }
0x205: {  	s29 =	simm.s32 $0x0;
	s30 =	simm.s32 $0xB5C0;
	v8 =	vld.idx.msk [tilespmem:v12+s23+$0x0], $0xffff;
	[tilespmem:s28+$0xFFFFFFD0] =	vst v14  }
.LBB3_23:
0x206: {  	v10 =	vld [tilespmem:s30+$0x30];
	s29 =	sadd.s32 $0x8, s29;
	[tilespmem:s28+$0xFFFFFFE0] =	vst v9  }
0x207: {  	v9 =	vld [tilespmem:s30+$0xFFFFFFD0];
	p0 =	slt.u32 s29, $0x138;
	[tilespmem:s28+$0xFFFFFFF0] =	vst v7  }
0x208: {  	v7 =	vld [tilespmem:s30+$0xFFFFFFE0];
	[tilespmem:s28+$0x0] =	vst v4  }
0x209: {  	v4 =	vld [tilespmem:s30+$0xFFFFFFF0];
	[tilespmem:s28+$0x10] =	vst v5  }
0x20a: {  	v5 =	vld [tilespmem:s30+$0x0];
	[tilespmem:s28+$0x20] =	vst v6  }
0x20b: {  	v6 =	vld [tilespmem:s30+$0x10];
	[tilespmem:s28+$0xFFFFFFC0] =	vst v8  }
0x20c: {  	v8 =	vld [tilespmem:s30+$0x20]  }
0x20d: {  	v11 =	vld [tilespmem:s30+$0xFFFFFFC0]  }
0x20e: {  	v10 =	vld.idx.msk [tilespmem:v10+s23+$0x0], $0xffff  }
0x20f: {  	v12 =	vld.idx.msk [tilespmem:v9+s23+$0x0], $0xffff  }
0x210: {  	v9 =	vld.idx.msk [tilespmem:v7+s23+$0x0], $0xffff  }
.Ltmp11:
0x211: {  	v7 =	vld.idx.msk [tilespmem:v4+s23+$0x0], $0xffff;
	(pc) =	sbr.rel @p0 .LBB3_23-.Ltmp11, $4  }
0x212: {  	v4 =	vld.idx.msk [tilespmem:v5+s23+$0x0], $0xffff  }
0x213: {  	s28 =	sadd.s32 $0x80, s28;
	v5 =	vld.idx.msk [tilespmem:v6+s23+$0x0], $0xffff  }
0x214: {  	v6 =	vld.idx.msk [tilespmem:v8+s23+$0x0], $0xffff;
	[tilespmem:s28+$0x30] =	vst v10  }
0x215: {  	s30 =	sadd.s32 $0x80, s30;
	v8 =	vld.idx.msk [tilespmem:v11+s23+$0x0], $0xffff;
	[tilespmem:s28+$0xFFFFFFD0] =	vst v12  }
0x216: {  	[tilespmem:s28+$0xFFFFFFE0] =	vst v9  }
0x217: {  	[tilespmem:s28+$0xFFFFFFF0] =	vst v7  }
0x218: {  	[tilespmem:s28+$0x0] =	vst v4  }
0x219: {  	[tilespmem:s28+$0x10] =	vst v5  }
0x21a: {  	[tilespmem:s28+$0x20] =	vst v6  }
0x21b: {  	[tilespmem:s28+$0xFFFFFFC0] =	vst v8  }
0x21c: {  	[hbm4b:s10+s17] =	stream.linear.scatter [tilespmem:s24], [sflag:$0x1], $0x1388, $0x38;
	[tilespmem:$0x12C00] =	vst v63  }
0x21d: {  	_ =	swait.ge [sflag:s18], $0x1388  }
0x21e: {  	[sflag:s18] =	ssyncset.done $0x0  }
0x21f: {  	[sflag:s18] =	ssyncadd.s32 $0xFFFFEC78  }
0x220: {  	[tilespmem:s23], [sflag:$0x1] =	stream.linear.gather [hbm4b:s5+s17], $0x4E80, $0x38;
	[tilespmem:$0x12C00] =	vst v63  }
0x221: {  	_ =	swait.ge [sflag:s18], $0x4E80  }
0x222: {  	[sflag:s18] =	ssyncset.done $0x0  }
0x223: {  	s11 =	simm.s32 $0xB540;
	[sflag:s18] =	ssyncadd.s32 $0xFFFFB180  }
0x224: {  	v4 =	vld [tilespmem:s11+$0x30]  }
0x225: {  	v5 =	vld [tilespmem:s11+$0xFFFFFFD0]  }
0x226: {  	v6 =	vld [tilespmem:s11+$0xFFFFFFE0]  }
0x227: {  	v7 =	vld [tilespmem:s11+$0xFFFFFFF0]  }
0x228: {  	v8 =	vld [tilespmem:s11+$0x0]  }
0x229: {  	v10 =	vld [tilespmem:s11+$0x10]  }
0x22a: {  	v11 =	vld [tilespmem:s11+$0x20]  }
0x22b: {  	v12 =	vld [tilespmem:s11+$0xFFFFFFC0]  }
0x22c: {  	v13 =	vld.idx.msk [tilespmem:v4+s23+$0x0], $0xffff  }
0x22d: {  	v14 =	vld.idx.msk [tilespmem:v5+s23+$0x0], $0xffff  }
0x22e: {  	v9 =	vld.idx.msk [tilespmem:v6+s23+$0x0], $0xffff  }
0x22f: {  	v7 =	vld.idx.msk [tilespmem:v7+s23+$0x0], $0xffff  }
0x230: {  	v4 =	vld.idx.msk [tilespmem:v8+s23+$0x0], $0xffff  }
0x231: {  	s28 =	simm.s32 $0x117C0;
	v5 =	vld.idx.msk [tilespmem:v10+s23+$0x0], $0xffff  }
0x232: {  	v6 =	vld.idx.msk [tilespmem:v11+s23+$0x0], $0xffff;
	[tilespmem:s28+$0x30] =	vst v13  }
0x233: {  	s29 =	simm.s32 $0x0;
	s30 =	simm.s32 $0xB5C0;
	v8 =	vld.idx.msk [tilespmem:v12+s23+$0x0], $0xffff;
	[tilespmem:s28+$0xFFFFFFD0] =	vst v14  }
.LBB3_25:
0x234: {  	v10 =	vld [tilespmem:s30+$0x30];
	s29 =	sadd.s32 $0x8, s29;
	[tilespmem:s28+$0xFFFFFFE0] =	vst v9  }
0x235: {  	v9 =	vld [tilespmem:s30+$0xFFFFFFD0];
	p0 =	slt.u32 s29, $0x138;
	[tilespmem:s28+$0xFFFFFFF0] =	vst v7  }
0x236: {  	v7 =	vld [tilespmem:s30+$0xFFFFFFE0];
	[tilespmem:s28+$0x0] =	vst v4  }
0x237: {  	v4 =	vld [tilespmem:s30+$0xFFFFFFF0];
	[tilespmem:s28+$0x10] =	vst v5  }
0x238: {  	v5 =	vld [tilespmem:s30+$0x0];
	[tilespmem:s28+$0x20] =	vst v6  }
0x239: {  	v6 =	vld [tilespmem:s30+$0x10];
	[tilespmem:s28+$0xFFFFFFC0] =	vst v8  }
0x23a: {  	v8 =	vld [tilespmem:s30+$0x20]  }
0x23b: {  	v11 =	vld [tilespmem:s30+$0xFFFFFFC0]  }
0x23c: {  	v10 =	vld.idx.msk [tilespmem:v10+s23+$0x0], $0xffff  }
0x23d: {  	v12 =	vld.idx.msk [tilespmem:v9+s23+$0x0], $0xffff  }
0x23e: {  	v9 =	vld.idx.msk [tilespmem:v7+s23+$0x0], $0xffff  }
.Ltmp12:
0x23f: {  	v7 =	vld.idx.msk [tilespmem:v4+s23+$0x0], $0xffff;
	(pc) =	sbr.rel @p0 .LBB3_25-.Ltmp12, $4  }
0x240: {  	v4 =	vld.idx.msk [tilespmem:v5+s23+$0x0], $0xffff  }
0x241: {  	s28 =	sadd.s32 $0x80, s28;
	v5 =	vld.idx.msk [tilespmem:v6+s23+$0x0], $0xffff  }
0x242: {  	v6 =	vld.idx.msk [tilespmem:v8+s23+$0x0], $0xffff;
	[tilespmem:s28+$0x30] =	vst v10  }
0x243: {  	s30 =	sadd.s32 $0x80, s30;
	v8 =	vld.idx.msk [tilespmem:v11+s23+$0x0], $0xffff;
	[tilespmem:s28+$0xFFFFFFD0] =	vst v12  }
0x244: {  	[tilespmem:s28+$0xFFFFFFE0] =	vst v9  }
0x245: {  	[tilespmem:s28+$0xFFFFFFF0] =	vst v7  }
0x246: {  	[tilespmem:s28+$0x0] =	vst v4  }
0x247: {  	[tilespmem:s28+$0x10] =	vst v5  }
0x248: {  	[tilespmem:s28+$0x20] =	vst v6  }
0x249: {  	[tilespmem:s28+$0xFFFFFFC0] =	vst v8  }
0x24a: {  	[hbm4b:s12+s17] =	stream.linear.scatter [tilespmem:s24], [sflag:$0x1], $0x1388, $0x38;
	[tilespmem:$0x12C00] =	vst v63  }
0x24b: {  	_ =	swait.ge [sflag:s18], $0x1388  }
0x24c: {  	[sflag:s18] =	ssyncset.done $0x0  }
0x24d: {  	[sflag:s18] =	ssyncadd.s32 $0xFFFFEC78  }
0x24e: {  	[tilespmem:s23], [sflag:$0x1] =	stream.linear.gather [hbm4b:s6+s17], $0x4E80, $0x38;
	[tilespmem:$0x12C00] =	vst v63  }
0x24f: {  	_ =	swait.ge [sflag:s18], $0x4E80  }
0x250: {  	[sflag:s18] =	ssyncset.done $0x0  }
0x251: {  	s11 =	simm.s32 $0xB540;
	[sflag:s18] =	ssyncadd.s32 $0xFFFFB180  }
0x252: {  	v4 =	vld [tilespmem:s11+$0x30]  }
0x253: {  	v5 =	vld [tilespmem:s11+$0xFFFFFFD0]  }
0x254: {  	v6 =	vld [tilespmem:s11+$0xFFFFFFE0]  }
0x255: {  	v7 =	vld [tilespmem:s11+$0xFFFFFFF0]  }
0x256: {  	v8 =	vld [tilespmem:s11+$0x0]  }
0x257: {  	v10 =	vld [tilespmem:s11+$0x10]  }
0x258: {  	v11 =	vld [tilespmem:s11+$0x20]  }
0x259: {  	v12 =	vld [tilespmem:s11+$0xFFFFFFC0]  }
0x25a: {  	v13 =	vld.idx.msk [tilespmem:v4+s23+$0x0], $0xffff  }
0x25b: {  	v14 =	vld.idx.msk [tilespmem:v5+s23+$0x0], $0xffff  }
0x25c: {  	v9 =	vld.idx.msk [tilespmem:v6+s23+$0x0], $0xffff  }
0x25d: {  	v7 =	vld.idx.msk [tilespmem:v7+s23+$0x0], $0xffff  }
0x25e: {  	v4 =	vld.idx.msk [tilespmem:v8+s23+$0x0], $0xffff  }
0x25f: {  	s28 =	simm.s32 $0x117C0;
	v5 =	vld.idx.msk [tilespmem:v10+s23+$0x0], $0xffff  }
0x260: {  	v6 =	vld.idx.msk [tilespmem:v11+s23+$0x0], $0xffff;
	[tilespmem:s28+$0x30] =	vst v13  }
0x261: {  	s29 =	simm.s32 $0x0;
	s30 =	simm.s32 $0xB5C0;
	v8 =	vld.idx.msk [tilespmem:v12+s23+$0x0], $0xffff;
	[tilespmem:s28+$0xFFFFFFD0] =	vst v14  }
.LBB3_27:
0x262: {  	v10 =	vld [tilespmem:s30+$0x30];
	s29 =	sadd.s32 $0x8, s29;
	[tilespmem:s28+$0xFFFFFFE0] =	vst v9  }
0x263: {  	v9 =	vld [tilespmem:s30+$0xFFFFFFD0];
	p0 =	slt.u32 s29, $0x138;
	[tilespmem:s28+$0xFFFFFFF0] =	vst v7  }
0x264: {  	v7 =	vld [tilespmem:s30+$0xFFFFFFE0];
	[tilespmem:s28+$0x0] =	vst v4  }
0x265: {  	v4 =	vld [tilespmem:s30+$0xFFFFFFF0];
	[tilespmem:s28+$0x10] =	vst v5  }
0x266: {  	v5 =	vld [tilespmem:s30+$0x0];
	[tilespmem:s28+$0x20] =	vst v6  }
0x267: {  	v6 =	vld [tilespmem:s30+$0x10];
	[tilespmem:s28+$0xFFFFFFC0] =	vst v8  }
0x268: {  	v8 =	vld [tilespmem:s30+$0x20]  }
0x269: {  	v11 =	vld [tilespmem:s30+$0xFFFFFFC0]  }
0x26a: {  	v10 =	vld.idx.msk [tilespmem:v10+s23+$0x0], $0xffff  }
0x26b: {  	v12 =	vld.idx.msk [tilespmem:v9+s23+$0x0], $0xffff  }
0x26c: {  	v9 =	vld.idx.msk [tilespmem:v7+s23+$0x0], $0xffff  }
.Ltmp13:
0x26d: {  	v7 =	vld.idx.msk [tilespmem:v4+s23+$0x0], $0xffff;
	(pc) =	sbr.rel @p0 .LBB3_27-.Ltmp13, $4  }
0x26e: {  	v4 =	vld.idx.msk [tilespmem:v5+s23+$0x0], $0xffff  }
0x26f: {  	s28 =	sadd.s32 $0x80, s28;
	v5 =	vld.idx.msk [tilespmem:v6+s23+$0x0], $0xffff  }
0x270: {  	v6 =	vld.idx.msk [tilespmem:v8+s23+$0x0], $0xffff;
	[tilespmem:s28+$0x30] =	vst v10  }
0x271: {  	s30 =	sadd.s32 $0x80, s30;
	v8 =	vld.idx.msk [tilespmem:v11+s23+$0x0], $0xffff;
	[tilespmem:s28+$0xFFFFFFD0] =	vst v12  }
0x272: {  	[tilespmem:s28+$0xFFFFFFE0] =	vst v9  }
0x273: {  	[tilespmem:s28+$0xFFFFFFF0] =	vst v7  }
0x274: {  	[tilespmem:s28+$0x0] =	vst v4  }
0x275: {  	[tilespmem:s28+$0x10] =	vst v5  }
0x276: {  	[tilespmem:s28+$0x20] =	vst v6  }
0x277: {  	[tilespmem:s28+$0xFFFFFFC0] =	vst v8  }
0x278: {  	[hbm4b:s14+s17] =	stream.linear.scatter [tilespmem:s24], [sflag:$0x1], $0x1388, $0x38;
	[tilespmem:$0x12C00] =	vst v63  }
0x279: {  	_ =	swait.ge [sflag:s18], $0x1388  }
0x27a: {  	[sflag:s18] =	ssyncset.done $0x0  }
0x27b: {  	[sflag:s18] =	ssyncadd.s32 $0xFFFFEC78  }
0x27c: {  	[tilespmem:$0x12B80] =	vst v2  }
0x27d: {  	[tilespmem:$0x12B90] =	vst v2  }
0x27e: {  	[tilespmem:$0x12BA0] =	vst v2  }
0x27f: {  	[tilespmem:$0x12BB0] =	vst v2  }
0x280: {  	s11 =	simm.s32 $0x117C0;
	[tilespmem:$0x12BC0] =	vst v2  }
0x281: {  	v21 =	vld [tilespmem:s11+$0xFFFFFFD0]  }
0x282: {  	v22 =	vld [tilespmem:s11+$0x10]  }
0x283: {  	s28 =	simm.s32 $0x10  }
0x284: {  	s29 =	simm.s32 $0x50;
	v5 =	vadd.s32 $0x1388, v1;
	v4 =	vmov s28  }
0x285: {  	v6 =	vmov s29;
	vm0 =	vlt.u32 v4, v5  }
0x286: {  	vm1 =	vlt.u32 v6, v5;
	(xrf1) =	vunique.msk.u32 vm0, v21  }
0x287: {  	(xrf1) =	vunique.msk.u32 vm1, v22;
	_ =	sdelay $0x3  }
0x288: {  	v8 =	vld [tilespmem:s11+$0xFFFFFFC0];
	_ =	sdelay $0x1  }
0x289: {  	s28 =	simm.s32 $0x0;
	v4 =	vld [tilespmem:s11+$0xFFFFFFE0]  }
0x28a: {  	v9 =	vmov s28;
	s28 =	simm.s32 $0x20;
	v6 =	vld [tilespmem:s11+$0xFFFFFFF0]  }
0x28b: {  	v7 =	vld [tilespmem:s11+$0x0];
	vm0 =	vlt.u32 v9, v5;
	v9 =	vmov s28;
	s28 =	simm.s32 $0x30  }
0x28c: {  	v11 =	vld [tilespmem:s11+$0x20];
	vm1 =	vlt.u32 v9, v5;
	v9 =	vmov s28;
	(xrf1) =	vunique.msk.u32 vm0, v8  }
0x28d: {  	s29 =	simm.s32 $0x40;
	vm0 =	vlt.u32 v9, v5;
	v9 =	vld [tilespmem:s11+$0x30]  }
0x28e: {  	v10 =	vmov s29;
	s28 =	simm.s32 $0x60;
	(xrf1) =	vunique.msk.u32 vm1, v4  }
0x28f: {  	s29 =	simm.s32 $0x70;
	v14 =	vmov s28;
	vm1 =	vlt.u32 v10, v5;
	(xrf1) =	vunique.msk.u32 vm0, v6  }
0x290: {  	v15 =	vmov s29;
	vm0 =	vlt.u32 v14, v5;
	(xrf1) =	vunique.msk.u32 vm1, v7;
	_, v23, vm1 =	vpop (xrf1)  }
0x291: {  	vm2 =	vlt.u32 v15, v5;
	_, v24, vm4 =	vpop (xrf1);
	(xrf1) =	vunique.msk.u32 vm0, v11  }
0x292: {  	(xrf1) =	vunique.msk.u32 vm2, v9  }
0x293: {  	s11 =	simm.s32 $0x11840  }
0x294: {  	v12 =	vld [tilespmem:s11+$0xFFFFFFD0]  }
0x295: {  	v10 =	vld [tilespmem:s11+$0x10]  }
0x296: {  	s28 =	simm.s32 $0x90  }
0x297: {  	s29 =	simm.s32 $0xD0;
	v13 =	vld [tilespmem:s11+$0xFFFFFFC0];
	v15 =	vmov s28;
	s28 =	simm.s32 $0x80  }
0x298: {  	v18 =	vmov s29;
	v16 =	vld [tilespmem:s11+$0xFFFFFFF0];
	v20 =	vmov s28;
	vm0 =	vlt.u32 v15, v5  }
0x299: {  	v14 =	vld [tilespmem:s11+$0xFFFFFFE0];
	vm2 =	vlt.u32 v18, v5;
	(xrf1) =	vunique.msk.u32 vm0, v12  }
0x29a: {  	s29 =	simm.s32 $0xA0;
	v17 =	vld [tilespmem:s11+$0x0];
	_, v19, vm0 =	vpop (xrf1);
	(xrf1) =	vunique.msk.u32 vm2, v10  }
0x29b: {  	vm3 =	vlt.u32 v20, v5;
	v15 =	vld [tilespmem:s11+$0x30];
	v18 =	vmov s29  }
0x29c: {  	s30 =	simm.s32 $0xB0;
	s29 =	simm.s32 $0xC0;
	vm6 =	vlt.u32 v18, v5;
	v18 =	vld [tilespmem:s11+$0x20];
	_, v20, vm2 =	vpop (xrf1);
	(xrf1) =	vunique.msk.u32 vm3, v13  }
0x29d: {  	s31 =	simm.s32 $0xE0;
	v25 =	vmov s29;
	[tilespmem:v21+s25+$0x0] =	vst.idx.add.s32.msk vm1, v23;
	v23 =	vmov s30;
	_, v21, vm3 =	vpop (xrf1)  }
0x29e: {  	s28 =	simm.s32 $0x8;
	s29 =	simm.s32 $0xF0;
	vm1 =	vlt.u32 v25, v5;
	s30 =	simm.s32 $0x118C0;
	(xrf1) =	vunique.msk.u32 vm6, v14;
	vm5 =	vlt.u32 v23, v5;
	[tilespmem:v22+s25+$0x0] =	vst.idx.add.s32.msk vm4, v24;
	_, v22, vm4 =	vpop (xrf1)  }
.LBB3_29:
0x29f: {  	v23 =	vld [tilespmem:s30+$0x10];
	s28 =	sadd.s32 $0x8, s28;
	v24 =	vmov s31;
	(xrf1) =	vunique.msk.u32 vm5, v16;
	_, v25, vm5 =	vpop (xrf1)  }
0x2a0: {  	p0 =	slt.u32 s28, $0x138;
	vm6 =	vlt.u32 v24, v5;
	v24 =	vmov s29;
	s29 =	sadd.s32 $0x80, s29;
	(xrf1) =	vunique.msk.u32 vm1, v17;
	[tilespmem:v8+s25+$0x0] =	vst.idx.add.s32.msk vm0, v19;
	_, v19, vm0 =	vpop (xrf1)  }
0x2a1: {  	v8 =	vmov v13;
	v26 =	vld [tilespmem:s30+$0xFFFFFFD0];
	vm1 =	vlt.u32 v24, v5;
	(xrf1) =	vunique.msk.u32 vm6, v18  }
0x2a2: {  	(xrf1) =	vunique.msk.u32 vm1, v15;
	[tilespmem:v4+s25+$0x0] =	vst.idx.add.s32.msk vm2, v20;
	v4 =	vmov v14  }
0x2a3: {  	s11 =	sadd.s32 $0xFFFFFF90, s29;
	s31 =	sadd.s32 $0xFFFFFFE0, s29;
	[tilespmem:v6+s25+$0x0] =	vst.idx.add.s32.msk vm3, v21;
	v6 =	vmov v16  }
0x2a4: {  	v13 =	vmov s11;
	s11 =	sadd.s32 $0xFFFFFFD0, s29;
	v14 =	vmov s31;
	[tilespmem:v7+s25+$0x0] =	vst.idx.add.s32.msk vm4, v22;
	v7 =	vmov v17  }
0x2a5: {  	vm2 =	vlt.u32 v13, v5;
	v13 =	vmov s11;
	vm3 =	vlt.u32 v14, v5;
	[tilespmem:v11+s25+$0x0] =	vst.idx.add.s32.msk vm5, v25;
	v11 =	vmovc v18  }
0x2a6: {  	s11 =	sadd.s32 $0xFFFFFFA0, s29;
	vm1 =	vlt.u32 v13, v5;
	[tilespmem:v9+s25+$0x0] =	vst.idx.add.s32.msk vm0, v19;
	v9 =	vmov v15  }
0x2a7: {  	v14 =	vmov s11;
	s11 =	sadd.s32 $0xFFFFFFB0, s29;
	v13 =	vld [tilespmem:s30+$0xFFFFFFC0];
	_, v21, vm4 =	vpop (xrf1)  }
0x2a8: {  	vm0 =	vlt.u32 v14, v5;
	v15 =	vmov s11;
	v14 =	vld [tilespmem:s30+$0xFFFFFFE0];
	_, v22, vm6 =	vpop (xrf1)  }
0x2a9: {  	vm7 =	vlt.u32 v15, v5;
	v16 =	vld [tilespmem:s30+$0xFFFFFFF0];
	(xrf1) =	vunique.msk.u32 vm0, v26  }
.Ltmp14:
0x2aa: {  	v17 =	vld [tilespmem:s30+$0x0];
	(xrf1) =	vunique.msk.u32 vm3, v23;
	_, v19, vm0 =	vpop (xrf1);
	(pc) =	sbr.rel @p0 .LBB3_29-.Ltmp14, $4  }
0x2ab: {  	v15 =	vld [tilespmem:s30+$0x30]  }
0x2ac: {  	s11 =	sadd.s32 $0xFFFFFFC0, s29;
	v18 =	vld [tilespmem:s30+$0x20];
	(xrf1) =	vunique.msk.u32 vm2, v13;
	_, v20, vm2 =	vpop (xrf1)  }
0x2ad: {  	v24 =	vmov s11;
	[tilespmem:v12+s25+$0x0] =	vst.idx.add.s32.msk vm4, v21;
	_, v21, vm3 =	vpop (xrf1);
	v12 =	vmov v26  }
0x2ae: {  	s31 =	sadd.s32 $0xFFFFFFF0, s29;
	vm5 =	vlt.u32 v24, v5;
	s30 =	sadd.s32 $0x80, s30;
	(xrf1) =	vunique.msk.u32 vm7, v14;
	[tilespmem:v10+s25+$0x0] =	vst.idx.add.s32.msk vm6, v22;
	_, v22, vm4 =	vpop (xrf1);
	v10 =	vmov v23  }
0x2af: {  	v23 =	vmov s31;
	(xrf1) =	vunique.msk.u32 vm5, v16  }
0x2b0: {  	v62 =	vmov s29;
	vm12 =	vlt.u32 v23, v5;
	(xrf1) =	vunique.msk.u32 vm1, v17  }
0x2b1: {  	vm13 =	vlt.u32 v62, v5;
	(xrf1) =	vunique.msk.u32 vm12, v18  }
0x2b2: {  	(xrf1) =	vunique.msk.u32 vm13, v15;
	_ =	sdelay $0x4  }
0x2b3: {  	_, v5, vm14 =	vpop (xrf1)  }
0x2b4: {  	_, v63, vm15 =	vpop (xrf1)  }
0x2b5: {  	[tilespmem:v8+s25+$0x0] =	vst.idx.add.s32.msk vm0, v19;
	_, v8, vm0 =	vpop (xrf1)  }
0x2b6: {  	[tilespmem:v4+s25+$0x0] =	vst.idx.add.s32.msk vm2, v20;
	_, v4, vm2 =	vpop (xrf1)  }
0x2b7: {  	[tilespmem:v6+s25+$0x0] =	vst.idx.add.s32.msk vm3, v21;
	_, v6, vm3 =	vpop (xrf1)  }
0x2b8: {  	[tilespmem:v7+s25+$0x0] =	vst.idx.add.s32.msk vm4, v22;
	_, v7, vm4 =	vpop (xrf1)  }
0x2b9: {  	[tilespmem:v11+s25+$0x0] =	vst.idx.add.s32.msk vm14, v5;
	_, v5, vm1 =	vpop (xrf1)  }
0x2ba: {  	[tilespmem:v9+s25+$0x0] =	vst.idx.add.s32.msk vm15, v63;
	_, v9, vm5 =	vpop (xrf1)  }
0x2bb: {  	[tilespmem:v12+s25+$0x0] =	vst.idx.add.s32.msk vm0, v8;
	_, v8, vm0 =	vpop (xrf1)  }
0x2bc: {  	[tilespmem:v10+s25+$0x0] =	vst.idx.add.s32.msk vm2, v4;
	_, v4, vm2 =	vpop (xrf1)  }
0x2bd: {  	[tilespmem:v13+s25+$0x0] =	vst.idx.add.s32.msk vm3, v6  }
0x2be: {  	[tilespmem:v14+s25+$0x0] =	vst.idx.add.s32.msk vm4, v7  }
0x2bf: {  	[tilespmem:v16+s25+$0x0] =	vst.idx.add.s32.msk vm1, v5  }
0x2c0: {  	s26 =	sadd.s32 $0x1, s26;
	[tilespmem:v17+s25+$0x0] =	vst.idx.add.s32.msk vm5, v9  }
0x2c1: {  	p0 =	sne.s32 s26, s16;
	[tilespmem:v18+s25+$0x0] =	vst.idx.add.s32.msk vm0, v8  }
.Ltmp15:
0x2c2: {  	[tilespmem:v15+s25+$0x0] =	vst.idx.add.s32.msk vm2, v4;
	(pc) =	sbr.rel @p0 .LBB3_2-.Ltmp15, $4  }
0x2c3: {  	[hbm4b:s15+s17] =	stream.linear.scatter [tilespmem:s25], [sflag:$0x1], $0x80, $0x38;
	[tilespmem:$0x12C00] =	vst v63  }
0x2c4: {  	_ =	swait.ge [sflag:s18], $0x80  }
0x2c5: {  	[sflag:s18] =	ssyncset.done $0x0  }
0x2c6: {  	[sflag:s18] =	ssyncadd.s32 $0xFFFFFF80  }
.LBB3_31:
0x2c7: {  	_ =	sfence.sel $0x180000  }
0x2c8: {  	s0 =	stileid.u32;
	[bflag:$0x0] =	sbarrier.arrive $0xFFFF  }
0x2c9: {  	p0 =	sne.s32 s0, $0x0;
	_ =	strace $0x90000047  }
0x2ca: {  	s0 =	sadd.s32 @!p0 $0x100000, s13;
	[bflag:$0x2] =	sbarrier.arrive $0xFFFF  }
0x2cb: {  	[sflag:s0] =	ssyncadd.tile.s32 @!p0 $0x1;
	_ =	shalt  }
.Lfunc_end3:
_tile_overlayer_lowered:
.L_overlay_start_3:
0x2cc: {  	(tag) =	ssettag $0x3  }
0x2cd: {  	s0 =	rddreg [dreg:$0x0];
	s2 =	stileid.u32  }
0x2ce: {  	s1 =	rddreg [dreg:$0x1];
	p0 =	sne.s32 s2, $0x0  }
0x2cf: {  	s3 =	rddreg [dreg:$0x2];
	[bflag:$0x3] =	sbarrier.arrive $0xFFFF;
	s2 =	simm.s32 @!p0 $0x1C01  }
0x2d0: {  	[timem:s3], [sflag:s2] =	dma.local @!p0 [hbm:s0], s1  }
0x2d1: {  	s0 =	simm.s32 @!p0 $0x1  }
0x2d2: {  	_ =	swait.ge @!p0 [sflag:s0], s1  }
0x2d3: {  	s1 =	ssub.s32 @!p0 $0x0, s1;
	[sflag:s0] =	ssyncset.done @!p0 $0x0  }
0x2d4: {  	[sflag:s0] =	ssyncadd.s32 @!p0 s1  }
0x2d5: {  	[bflag:$0x3] =	sbarrier.arrive $0xFFFF  }
0x2d6: {  	_ =	shalt  }

</sc_bundles>
